<compile_context>
chip_gen: v7x
topology: tpu7x:2x2x1
jax: 0.10.2.dev20260603
libtpu: 0.0.44.dev20260713+nightly
codegen_flags: <defaults>
</compile_context>

<pallas_src>
import functools
import jax
import jax.numpy as jnp
from jax import lax
from jax.experimental import pallas as pl
from jax.experimental.pallas import tpu as pltpu
from jax.experimental.pallas import tpu_sc as plsc

_N = 10000
_K = 6
_KG = _K - 1
_NPAD = 10240
_E = _NPAD * _KG
_NW = 32
_EPW = _E // _NW
_QB = 400
_CB = 2048



def _knn_kernel(q_ref, post_ref, w1_ref, b1_ref, wp_ref,
                nbr_ref, y1_ref, p1_ref):
    q = q_ref[...]
    d = None
    for c in range(3):
        diff = q[:, c:c + 1] - post_ref[c:c + 1, :]
        sq = diff * diff
        d = sq if d is None else d + sq
    cols = lax.broadcasted_iota(jnp.int32, d.shape, 1)
    rows = lax.broadcasted_iota(jnp.int32, d.shape, 0) + pl.program_id(0) * _QB
    d = jnp.where(cols == rows, jnp.float32(jnp.inf), d)
    idx_cols = []
    for _ in range(_KG):
        m = jnp.min(d, axis=1, keepdims=True)
        sel = jnp.where(d == m, cols, jnp.int32(2**30))
        idx = jnp.min(sel, axis=1, keepdims=True)
        idx_cols.append(idx)
        d = jnp.where(cols == idx, jnp.float32(jnp.inf), d)
    nbr_ref[...] = jnp.concatenate(idx_cols, axis=1)
    p1 = jnp.dot(q, wp_ref[...], preferred_element_type=jnp.float32)
    y1_ref[...] = jnp.dot(q, w1_ref[...],
                          preferred_element_type=jnp.float32) + b1_ref[...]
    p1_ref[...] = p1


def _knn(pos, w1sum, b1, w1p):
    post = pos.T
    grid = _N // _QB
    return pl.pallas_call(
        _knn_kernel,
        grid=(grid,),
        in_specs=[
            pl.BlockSpec((_QB, 3), lambda i: (i, 0)),
            pl.BlockSpec((3, _N), lambda i: (0, 0)),
            pl.BlockSpec((3, 32), lambda i: (0, 0)),
            pl.BlockSpec((1, 32), lambda i: (0, 0)),
            pl.BlockSpec((3, 32), lambda i: (0, 0)),
        ],
        out_specs=[
            pl.BlockSpec((_QB, _KG), lambda i: (i, 0)),
            pl.BlockSpec((_QB, 32), lambda i: (i, 0)),
            pl.BlockSpec((_QB, 32), lambda i: (i, 0)),
        ],
        out_shape=[
            jax.ShapeDtypeStruct((_N, _KG), jnp.int32),
            jax.ShapeDtypeStruct((_N, 32), jnp.float32),
            jax.ShapeDtypeStruct((_N, 32), jnp.float32),
        ],
        compiler_params=pltpu.CompilerParams(
            dimension_semantics=("arbitrary",)),
    )(pos, post, w1sum, b1, w1p)



@functools.lru_cache(maxsize=None)
def _make_sc_gather(d_feat, n_chunks):
    rpc = _EPW // n_chunks
    mesh = plsc.VectorSubcoreMesh(core_axis_name="c", subcore_axis_name="s")

    @functools.partial(
        pl.kernel,
        out_type=jax.ShapeDtypeStruct((_E, d_feat), jnp.float32),
        mesh=mesh,
        scratch_types=[
            pltpu.VMEM((_EPW,), jnp.int32),
            pltpu.VMEM((rpc, d_feat), jnp.float32),
            pltpu.VMEM((rpc, d_feat), jnp.float32),
            pltpu.SemaphoreType.DMA,
            pltpu.SemaphoreType.DMA,
            pltpu.SemaphoreType.DMA,
            pltpu.SemaphoreType.DMA,
        ],
        compiler_params=pltpu.CompilerParams(use_tc_tiling_on_sc=False),
    )
    def gather(table_hbm, idx_hbm, out_hbm, idx_v, buf0, buf1,
               gs0, gs1, ws0, ws1):
        wid = lax.axis_index("s") * 2 + lax.axis_index("c")
        base = wid * _EPW
        bufs = (buf0, buf1)
        gsems = (gs0, gs1)
        wsems = (ws0, ws1)
        pltpu.sync_copy(idx_hbm.at[pl.ds(base, _EPW)], idx_v)
        ghandles = [None, None]
        whandles = [None, None]
        for c in range(n_chunks):
            b = c & 1
            if whandles[b] is not None:
                whandles[b].wait()
            ghandles[b] = pltpu.async_copy(
                table_hbm.at[idx_v.at[pl.ds(c * rpc, rpc)]], bufs[b], gsems[b])
            if c >= 1:
                pb = (c - 1) & 1
                ghandles[pb].wait()
                whandles[pb] = pltpu.async_copy(
                    bufs[pb], out_hbm.at[pl.ds(base + (c - 1) * rpc, rpc)],
                    wsems[pb])
        lb = (n_chunks - 1) & 1
        ghandles[lb].wait()
        whandles[lb] = pltpu.async_copy(
            bufs[lb], out_hbm.at[pl.ds(base + (n_chunks - 1) * rpc, rpc)],
            wsems[lb])
        for w in whandles:
            if w is not None:
                w.wait()

    return gather


def _gather32(table, idx):
    return _make_sc_gather(32, 2)(table, idx)


def _gather64(table, idx):
    return _make_sc_gather(64, 2)(table, idx)


def _gather128(table, idx):
    return _make_sc_gather(128, 4)(table, idx)



def _conv_mid_kernel(g_ref, y_ref, p_ref, pos_ref, wb_ref, bb_ref,
                     wnx_ref, wnp_ref, bn_ref,
                     h_ref, yn_ref, pn_ref):
    pb = p_ref[...]
    wb = wb_ref[...]
    e0 = jnp.maximum(y_ref[...] - pb, 0.0)
    acc = jnp.dot(e0, wb, preferred_element_type=jnp.float32)
    for j in range(_KG):
        e = jnp.maximum(g_ref[:, j, :] - pb, 0.0)
        t = jnp.dot(e, wb, preferred_element_type=jnp.float32)
        acc = jnp.maximum(acc, t)
    h = jnp.maximum(acc + bb_ref[...], 0.0)
    h_ref[...] = h
    pn = jnp.dot(pos_ref[...], wnp_ref[...], preferred_element_type=jnp.float32)
    yn_ref[...] = jnp.dot(h, wnx_ref[...],
                          preferred_element_type=jnp.float32) + pn + bn_ref[...]
    pn_ref[...] = pn


def _conv_last_kernel(g_ref, y_ref, p_ref, wb_ref, bb_ref, h_ref):
    pb = p_ref[...]
    wb = wb_ref[...]
    e0 = jnp.maximum(y_ref[...] - pb, 0.0)
    acc = jnp.dot(e0, wb, preferred_element_type=jnp.float32)
    for j in range(_KG):
        e = jnp.maximum(g_ref[:, j, :] - pb, 0.0)
        t = jnp.dot(e, wb, preferred_element_type=jnp.float32)
        acc = jnp.maximum(acc, t)
    h_ref[...] = jnp.maximum(acc + bb_ref[...], 0.0)


def _conv_mid(g, y, p, pos_pad, wb, bb, wnx, wnp, bn):
    fi, fo = wb.shape
    fn = wnx.shape[1]
    grid = _NPAD // _CB
    full = lambda i: (0, 0)
    return pl.pallas_call(
        _conv_mid_kernel,
        grid=(grid,),
        in_specs=[
            pl.BlockSpec((_CB, _KG, fi), lambda i: (i, 0, 0)),
            pl.BlockSpec((_CB, fi), lambda i: (i, 0)),
            pl.BlockSpec((_CB, fi), lambda i: (i, 0)),
            pl.BlockSpec((_CB, 3), lambda i: (i, 0)),
            pl.BlockSpec(wb.shape, full),
            pl.BlockSpec((1, fo), full),
            pl.BlockSpec(wnx.shape, full),
            pl.BlockSpec((3, fn), full),
            pl.BlockSpec((1, fn), full),
        ],
        out_specs=[
            pl.BlockSpec((_CB, fo), lambda i: (i, 0)),
            pl.BlockSpec((_CB, fn), lambda i: (i, 0)),
            pl.BlockSpec((_CB, fn), lambda i: (i, 0)),
        ],
        out_shape=[
            jax.ShapeDtypeStruct((_NPAD, fo), jnp.float32),
            jax.ShapeDtypeStruct((_NPAD, fn), jnp.float32),
            jax.ShapeDtypeStruct((_NPAD, fn), jnp.float32),
        ],
        compiler_params=pltpu.CompilerParams(
            dimension_semantics=("arbitrary",)),
    )(g, y, p, pos_pad, wb, bb, wnx, wnp, bn)


def _conv_last(g, y, p, wb, bb):
    fi, fo = wb.shape
    grid = _NPAD // _CB
    full = lambda i: (0, 0)
    return pl.pallas_call(
        _conv_last_kernel,
        grid=(grid,),
        in_specs=[
            pl.BlockSpec((_CB, _KG, fi), lambda i: (i, 0, 0)),
            pl.BlockSpec((_CB, fi), lambda i: (i, 0)),
            pl.BlockSpec((_CB, fi), lambda i: (i, 0)),
            pl.BlockSpec(wb.shape, full),
            pl.BlockSpec((1, fo), full),
        ],
        out_specs=pl.BlockSpec((_CB, fo), lambda i: (i, 0)),
        out_shape=jax.ShapeDtypeStruct((_NPAD, fo), jnp.float32),
        compiler_params=pltpu.CompilerParams(
            dimension_semantics=("arbitrary",)),
    )(g, y, p, wb, bb)



def kernel(pos, w1a, b1a, w1b, b1b, w2a, b2a, w2b, b2b, w3a, b3a, w3b, b3b):
    f = jnp.float32
    w1x, w1p = w1a[:3], w1a[3:]
    w2x, w2p = w2a[:32], w2a[32:]
    w3x, w3p = w3a[:64], w3a[64:]

    nbr, y1, p1 = _knn(pos.astype(f), (w1x + w1p).astype(f),
                       b1a.reshape(1, -1).astype(f), w1p.astype(f))

    src = jnp.concatenate(
        [nbr.reshape(-1), jnp.zeros((_E - _N * _KG,), jnp.int32)])
    zpad = lambda a: jnp.pad(a, ((0, _NPAD - _N), (0, 0)))
    pos_pad = zpad(pos.astype(f))

    g1 = _gather32(y1, src).reshape(_NPAD, _KG, 32)
    h1, y2, p2 = _conv_mid(g1, zpad(y1), zpad(p1), pos_pad,
                           w1b, b1b.reshape(1, -1),
                           w2x, w2p, b2a.reshape(1, -1))

    g2 = _gather64(y2, src).reshape(_NPAD, _KG, 64)
    h2, y3, p3 = _conv_mid(g2, y2, p2, pos_pad, w2b, b2b.reshape(1, -1),
                           w3x, w3p, b3a.reshape(1, -1))

    g3 = _gather128(y3, src).reshape(_NPAD, _KG, 128)
    h3 = _conv_last(g3, y3, p3, w3b, b3b.reshape(1, -1))
    return h3[:_N]

# --- scband reference (transcript-rebuilt; emitter-appended) ---
"""Pipeline reference for scband-point-net-18279380812435 (READ-ONLY COPY).

The authoritative reference and input builder live on the scoring server;
editing this copy changes nothing except your own understanding.
"""

import jax, jax.numpy as jnp
import numpy as np

N = 10000
K = 6

def _knn_graph(pos, k):
    n = pos.shape[0]
    chunk = 1000
    nbrs = []
    for s in range(0, n, chunk):
        q = pos[s:s + chunk]
        d = jnp.sum((q[:, None, :] - pos[None, :, :]) ** 2, axis=-1)
        _, idx = jax.lax.top_k(-d, k)
        nbrs.append(idx)
    nbr = jnp.concatenate(nbrs, axis=0)
    src = nbr.reshape(-1)
    dst = jnp.repeat(jnp.arange(n), k)
    return jnp.stack([src, dst], axis=0)


def setup_inputs(seed: int = 0):
    key = jax.random.key(seed)
    keys = jax.random.split(key, 13)
    pos = jax.random.normal(keys[0], (N, 3), dtype=jnp.float32)
    dims = [(6, 32), (32, 32), (35, 64), (64, 64), (67, 128), (128, 128)]
    names = ["w1a", "w1b", "w2a", "w2b", "w3a", "w3b"]
    params = {}
    i = 1
    for name, (fi, fo) in zip(names, dims):
        bound = 1.0 / np.sqrt(fi)
        params[name] = jax.random.uniform(keys[i], (fi, fo), minval=-bound, maxval=bound, dtype=jnp.float32)
        i += 1
        params["b" + name[1:]] = jax.random.uniform(keys[i], (fo,), minval=-bound, maxval=bound, dtype=jnp.float32)
        i += 1
    return {"pos": pos, **params}


def _conv(x, pos, src, dst, wa, ba, wb, bb):
    msg = jnp.concatenate([x[src], pos[src] - pos[dst]], axis=-1)
    h = jnp.maximum(msg @ wa + ba, 0.0) @ wb + bb
    return jax.ops.segment_max(h, dst, num_segments=pos.shape[0])


def reference(pos, w1a, b1a, w1b, b1b, w2a, b2a, w2b, b2b, w3a, b3a, w3b, b3b):
    edge_index = _knn_graph(pos, K)
    src, dst = edge_index[0], edge_index[1]
    h = pos
    h = jnp.maximum(_conv(h, pos, src, dst, w1a, b1a, w1b, b1b), 0.0)
    h = jnp.maximum(_conv(h, pos, src, dst, w2a, b2a, w2b, b2b), 0.0)
    h = jnp.maximum(_conv(h, pos, src, dst, w3a, b3a, w3b, b3b), 0.0)
    return h

if __name__ == "__main__":
    import jax
    _d = setup_inputs()
    print(jax.jit(kernel)(*tuple(_d.values())))

</pallas_src>

<mosaic_0001>
#map = affine_map<(d0, d1) -> (0, 0)>
#map1 = affine_map<(d0, d1) -> (0)>
module attributes {stable_mosaic.version = 14 : i64} {
  func.func @gather(%arg0: i32, %arg1: i32, %arg2: memref<10000x32xf32, #tpu.memory_space<hbm>>, %arg3: memref<51200xi32, #tpu.memory_space<hbm>>, %arg4: memref<51200x32xf32, #tpu.memory_space<hbm>>, %arg5: memref<1600xi32, #tpu.memory_space<vmem>>, %arg6: memref<800x32xf32, #tpu.memory_space<vmem>>, %arg7: memref<800x32xf32, #tpu.memory_space<vmem>>, %arg8: memref<!tpu.dma_semaphore, #tpu.memory_space<semaphore_mem>>, %arg9: memref<!tpu.dma_semaphore, #tpu.memory_space<semaphore_mem>>, %arg10: memref<!tpu.dma_semaphore, #tpu.memory_space<semaphore_mem>>, %arg11: memref<!tpu.dma_semaphore, #tpu.memory_space<semaphore_mem>>) attributes {dimension_semantics = [#tpu.dimension_semantics<core_parallel>, #tpu.dimension_semantics<subcore_parallel>], iteration_bounds = array<i64: 2, 16>, scalar_prefetch = 0 : i64, scratch_operands = 7 : i64, tpu.core_type = #tpu.core_type<sc_vector_subcore>, window_params = [{transform_indices = #map}, {transform_indices = #map1}, {transform_indices = #map}]} {
    %mul3A = arith.constant 2 : i32
    %mul3A_0 = arith.muli %arg1, %mul3A : i32
    %add3A = arith.addi %mul3A_0, %arg0 : i32
    %mul3A_1 = arith.constant 1600 : i32
    %mul3A_2 = arith.muli %add3A, %mul3A_1 : i32
    "tpu.region"() ({
      %run_scoped3A = tpu.sem_alloc : memref<!tpu.dma_semaphore, #tpu.memory_space<semaphore_mem>>
      %dma_start3A_41 = tpu.memref_slice %arg3[%mul3A_2] : memref<51200xi32, #tpu.memory_space<hbm>> -> memref<1600xi32, #tpu.memory_space<hbm>>
      %dma_start3A_42 = tpu.memref_slice %arg3[%mul3A_2] : memref<51200xi32, #tpu.memory_space<hbm>> -> memref<1600xi32, #tpu.memory_space<hbm>>
      tpu.enqueue_dma source(%dma_start3A_42 : memref<1600xi32, #tpu.memory_space<hbm>>) target(%arg5 : memref<1600xi32, #tpu.memory_space<vmem>>) target_semaphore(%run_scoped3A : memref<!tpu.dma_semaphore, #tpu.memory_space<semaphore_mem>>)
      %dma_wait3A_43 = tpu.memref_slice %arg3[%mul3A_2] : memref<51200xi32, #tpu.memory_space<hbm>> -> memref<1600xi32, #tpu.memory_space<hbm>>
      %dma_wait3A_44 = tpu.memref_slice %arg3[%mul3A_2] : memref<51200xi32, #tpu.memory_space<hbm>> -> memref<1600xi32, #tpu.memory_space<hbm>>
      tpu.wait_dma2 semaphore(%run_scoped3A : memref<!tpu.dma_semaphore, #tpu.memory_space<semaphore_mem>>) src(%dma_wait3A_44 : memref<1600xi32, #tpu.memory_space<hbm>>) dst(%arg5 : memref<1600xi32, #tpu.memory_space<vmem>>)
      tpu.yield
    }) : () -> ()
    %dma_start3A = arith.constant 0 : i32
    %dma_start3A_3 = tpu.memref_slice %arg5[%dma_start3A] : memref<1600xi32, #tpu.memory_space<vmem>> -> memref<800xi32, #tpu.memory_space<vmem>>
    %dma_start3A_4 = arith.constant 0 : i32
    %dma_start3A_5 = arith.constant 0 : i32
    %dma_start3A_6 = tpu.memref_slice %arg2[%dma_start3A_4, %dma_start3A_5] : memref<10000x32xf32, #tpu.memory_space<hbm>> -> memref<10000x32xf32, #tpu.memory_space<hbm>>
    tpu.enqueue_indirect_dma source(%dma_start3A_6 : memref<10000x32xf32, #tpu.memory_space<hbm>>) target(%arg6 : memref<800x32xf32, #tpu.memory_space<vmem>>) offsets(%dma_start3A_3 : memref<800xi32, #tpu.memory_space<vmem>>) semaphore(%arg8 : memref<!tpu.dma_semaphore, #tpu.memory_space<semaphore_mem>>)
    %dma_start3A_7 = arith.constant 800 : i32
    %dma_start3A_8 = tpu.memref_slice %arg5[%dma_start3A_7] : memref<1600xi32, #tpu.memory_space<vmem>> -> memref<800xi32, #tpu.memory_space<vmem>>
    %dma_start3A_9 = arith.constant 0 : i32
    %dma_start3A_10 = arith.constant 0 : i32
    %dma_start3A_11 = tpu.memref_slice %arg2[%dma_start3A_9, %dma_start3A_10] : memref<10000x32xf32, #tpu.memory_space<hbm>> -> memref<10000x32xf32, #tpu.memory_space<hbm>>
    tpu.enqueue_indirect_dma source(%dma_start3A_11 : memref<10000x32xf32, #tpu.memory_space<hbm>>) target(%arg7 : memref<800x32xf32, #tpu.memory_space<vmem>>) offsets(%dma_start3A_8 : memref<800xi32, #tpu.memory_space<vmem>>) semaphore(%arg9 : memref<!tpu.dma_semaphore, #tpu.memory_space<semaphore_mem>>)
    %dma_wait3A = arith.constant 0 : i32
    %dma_wait3A_12 = tpu.memref_slice %arg5[%dma_wait3A] : memref<1600xi32, #tpu.memory_space<vmem>> -> memref<800xi32, #tpu.memory_space<vmem>>
    %dma_wait3A_13 = arith.constant 0 : i32
    %dma_wait3A_14 = arith.constant 0 : i32
    %dma_wait3A_15 = tpu.memref_slice %arg2[%dma_wait3A_13, %dma_wait3A_14] : memref<10000x32xf32, #tpu.memory_space<hbm>> -> memref<10000x32xf32, #tpu.memory_space<hbm>>
    tpu.wait_indirect_dma semaphore(%arg8 : memref<!tpu.dma_semaphore, #tpu.memory_space<semaphore_mem>>) src(%dma_wait3A_15 : memref<10000x32xf32, #tpu.memory_space<hbm>>) dst(%arg6 : memref<800x32xf32, #tpu.memory_space<vmem>>)
    %add3A_16 = arith.constant 0 : i32
    %add3A_17 = arith.addi %mul3A_2, %add3A_16 : i32
    %dma_start3A_18 = arith.constant 0 : i32
    %dma_start3A_19 = tpu.memref_slice %arg4[%add3A_17, %dma_start3A_18] : memref<51200x32xf32, #tpu.memory_space<hbm>> -> memref<800x32xf32, #tpu.memory_space<hbm>>
    %dma_start3A_20 = arith.constant 0 : i32
    %dma_start3A_21 = tpu.memref_slice %arg4[%add3A_17, %dma_start3A_20] : memref<51200x32xf32, #tpu.memory_space<hbm>> -> memref<800x32xf32, #tpu.memory_space<hbm>>
    tpu.enqueue_dma source(%arg6 : memref<800x32xf32, #tpu.memory_space<vmem>>) target(%dma_start3A_21 : memref<800x32xf32, #tpu.memory_space<hbm>>) target_semaphore(%arg10 : memref<!tpu.dma_semaphore, #tpu.memory_space<semaphore_mem>>)
    %dma_wait3A_22 = arith.constant 800 : i32
    %dma_wait3A_23 = tpu.memref_slice %arg5[%dma_wait3A_22] : memref<1600xi32, #tpu.memory_space<vmem>> -> memref<800xi32, #tpu.memory_space<vmem>>
    %dma_wait3A_24 = arith.constant 0 : i32
    %dma_wait3A_25 = arith.constant 0 : i32
    %dma_wait3A_26 = tpu.memref_slice %arg2[%dma_wait3A_24, %dma_wait3A_25] : memref<10000x32xf32, #tpu.memory_space<hbm>> -> memref<10000x32xf32, #tpu.memory_space<hbm>>
    tpu.wait_indirect_dma semaphore(%arg9 : memref<!tpu.dma_semaphore, #tpu.memory_space<semaphore_mem>>) src(%dma_wait3A_26 : memref<10000x32xf32, #tpu.memory_space<hbm>>) dst(%arg7 : memref<800x32xf32, #tpu.memory_space<vmem>>)
    %add3A_27 = arith.constant 800 : i32
    %add3A_28 = arith.addi %mul3A_2, %add3A_27 : i32
    %dma_start3A_29 = arith.constant 0 : i32
    %dma_start3A_30 = tpu.memref_slice %arg4[%add3A_28, %dma_start3A_29] : memref<51200x32xf32, #tpu.memory_space<hbm>> -> memref<800x32xf32, #tpu.memory_space<hbm>>
    %dma_start3A_31 = arith.constant 0 : i32
    %dma_start3A_32 = tpu.memref_slice %arg4[%add3A_28, %dma_start3A_31] : memref<51200x32xf32, #tpu.memory_space<hbm>> -> memref<800x32xf32, #tpu.memory_space<hbm>>
    tpu.enqueue_dma source(%arg7 : memref<800x32xf32, #tpu.memory_space<vmem>>) target(%dma_start3A_32 : memref<800x32xf32, #tpu.memory_space<hbm>>) target_semaphore(%arg11 : memref<!tpu.dma_semaphore, #tpu.memory_space<semaphore_mem>>)
    %dma_wait3A_33 = arith.constant 0 : i32
    %dma_wait3A_34 = tpu.memref_slice %arg4[%add3A_17, %dma_wait3A_33] : memref<51200x32xf32, #tpu.memory_space<hbm>> -> memref<800x32xf32, #tpu.memory_space<hbm>>
    %dma_wait3A_35 = arith.constant 0 : i32
    %dma_wait3A_36 = tpu.memref_slice %arg4[%add3A_17, %dma_wait3A_35] : memref<51200x32xf32, #tpu.memory_space<hbm>> -> memref<800x32xf32, #tpu.memory_space<hbm>>
    tpu.wait_dma2 semaphore(%arg10 : memref<!tpu.dma_semaphore, #tpu.memory_space<semaphore_mem>>) src(%arg6 : memref<800x32xf32, #tpu.memory_space<vmem>>) dst(%dma_wait3A_36 : memref<800x32xf32, #tpu.memory_space<hbm>>)
    %dma_wait3A_37 = arith.constant 0 : i32
    %dma_wait3A_38 = tpu.memref_slice %arg4[%add3A_28, %dma_wait3A_37] : memref<51200x32xf32, #tpu.memory_space<hbm>> -> memref<800x32xf32, #tpu.memory_space<hbm>>
    %dma_wait3A_39 = arith.constant 0 : i32
    %dma_wait3A_40 = tpu.memref_slice %arg4[%add3A_28, %dma_wait3A_39] : memref<51200x32xf32, #tpu.memory_space<hbm>> -> memref<800x32xf32, #tpu.memory_space<hbm>>
    tpu.wait_dma2 semaphore(%arg11 : memref<!tpu.dma_semaphore, #tpu.memory_space<semaphore_mem>>) src(%arg7 : memref<800x32xf32, #tpu.memory_space<vmem>>) dst(%dma_wait3A_40 : memref<800x32xf32, #tpu.memory_space<hbm>>)
    return
  }
}

#map = affine_map<(d0, d1) -> (0, 0)>
#map1 = affine_map<(d0, d1) -> (0)>
module attributes {stable_mosaic.version = 14 : i64} {
  func.func @gather(%arg0: i32, %arg1: i32, %arg2: memref<10240x128xf32, #tpu.memory_space<hbm>>, %arg3: memref<51200xi32, #tpu.memory_space<hbm>>, %arg4: memref<51200x128xf32, #tpu.memory_space<hbm>>, %arg5: memref<1600xi32, #tpu.memory_space<vmem>>, %arg6: memref<400x128xf32, #tpu.memory_space<vmem>>, %arg7: memref<400x128xf32, #tpu.memory_space<vmem>>, %arg8: memref<!tpu.dma_semaphore, #tpu.memory_space<semaphore_mem>>, %arg9: memref<!tpu.dma_semaphore, #tpu.memory_space<semaphore_mem>>, %arg10: memref<!tpu.dma_semaphore, #tpu.memory_space<semaphore_mem>>, %arg11: memref<!tpu.dma_semaphore, #tpu.memory_space<semaphore_mem>>) attributes {dimension_semantics = [#tpu.dimension_semantics<core_parallel>, #tpu.dimension_semantics<subcore_parallel>], iteration_bounds = array<i64: 2, 16>, scalar_prefetch = 0 : i64, scratch_operands = 7 : i64, tpu.core_type = #tpu.core_type<sc_vector_subcore>, window_params = [{transform_indices = #map}, {transform_indices = #map1}, {transform_indices = #map}]} {
    %mul3A = arith.constant 2 : i32
    %mul3A_0 = arith.muli %arg1, %mul3A : i32
    %add3A = arith.addi %mul3A_0, %arg0 : i32
    %mul3A_1 = arith.constant 1600 : i32
    %mul3A_2 = arith.muli %add3A, %mul3A_1 : i32
    "tpu.region"() ({
      %run_scoped3A = tpu.sem_alloc : memref<!tpu.dma_semaphore, #tpu.memory_space<semaphore_mem>>
      %dma_start3A_81 = tpu.memref_slice %arg3[%mul3A_2] : memref<51200xi32, #tpu.memory_space<hbm>> -> memref<1600xi32, #tpu.memory_space<hbm>>
      %dma_start3A_82 = tpu.memref_slice %arg3[%mul3A_2] : memref<51200xi32, #tpu.memory_space<hbm>> -> memref<1600xi32, #tpu.memory_space<hbm>>
      tpu.enqueue_dma source(%dma_start3A_82 : memref<1600xi32, #tpu.memory_space<hbm>>) target(%arg5 : memref<1600xi32, #tpu.memory_space<vmem>>) target_semaphore(%run_scoped3A : memref<!tpu.dma_semaphore, #tpu.memory_space<semaphore_mem>>)
      %dma_wait3A_83 = tpu.memref_slice %arg3[%mul3A_2] : memref<51200xi32, #tpu.memory_space<hbm>> -> memref<1600xi32, #tpu.memory_space<hbm>>
      %dma_wait3A_84 = tpu.memref_slice %arg3[%mul3A_2] : memref<51200xi32, #tpu.memory_space<hbm>> -> memref<1600xi32, #tpu.memory_space<hbm>>
      tpu.wait_dma2 semaphore(%run_scoped3A : memref<!tpu.dma_semaphore, #tpu.memory_space<semaphore_mem>>) src(%dma_wait3A_84 : memref<1600xi32, #tpu.memory_space<hbm>>) dst(%arg5 : memref<1600xi32, #tpu.memory_space<vmem>>)
      tpu.yield
    }) : () -> ()
    %dma_start3A = arith.constant 0 : i32
    %dma_start3A_3 = tpu.memref_slice %arg5[%dma_start3A] : memref<1600xi32, #tpu.memory_space<vmem>> -> memref<400xi32, #tpu.memory_space<vmem>>
    %dma_start3A_4 = arith.constant 0 : i32
    %dma_start3A_5 = arith.constant 0 : i32
    %dma_start3A_6 = tpu.memref_slice %arg2[%dma_start3A_4, %dma_start3A_5] : memref<10240x128xf32, #tpu.memory_space<hbm>> -> memref<10240x128xf32, #tpu.memory_space<hbm>>
    tpu.enqueue_indirect_dma source(%dma_start3A_6 : memref<10240x128xf32, #tpu.memory_space<hbm>>) target(%arg6 : memref<400x128xf32, #tpu.memory_space<vmem>>) offsets(%dma_start3A_3 : memref<400xi32, #tpu.memory_space<vmem>>) semaphore(%arg8 : memref<!tpu.dma_semaphore, #tpu.memory_space<semaphore_mem>>)
    %dma_start3A_7 = arith.constant 400 : i32
    %dma_start3A_8 = tpu.memref_slice %arg5[%dma_start3A_7] : memref<1600xi32, #tpu.memory_space<vmem>> -> memref<400xi32, #tpu.memory_space<vmem>>
    %dma_start3A_9 = arith.constant 0 : i32
    %dma_start3A_10 = arith.constant 0 : i32
    %dma_start3A_11 = tpu.memref_slice %arg2[%dma_start3A_9, %dma_start3A_10] : memref<10240x128xf32, #tpu.memory_space<hbm>> -> memref<10240x128xf32, #tpu.memory_space<hbm>>
    tpu.enqueue_indirect_dma source(%dma_start3A_11 : memref<10240x128xf32, #tpu.memory_space<hbm>>) target(%arg7 : memref<400x128xf32, #tpu.memory_space<vmem>>) offsets(%dma_start3A_8 : memref<400xi32, #tpu.memory_space<vmem>>) semaphore(%arg9 : memref<!tpu.dma_semaphore, #tpu.memory_space<semaphore_mem>>)
    %dma_wait3A = arith.constant 0 : i32
    %dma_wait3A_12 = tpu.memref_slice %arg5[%dma_wait3A] : memref<1600xi32, #tpu.memory_space<vmem>> -> memref<400xi32, #tpu.memory_space<vmem>>
    %dma_wait3A_13 = arith.constant 0 : i32
    %dma_wait3A_14 = arith.constant 0 : i32
    %dma_wait3A_15 = tpu.memref_slice %arg2[%dma_wait3A_13, %dma_wait3A_14] : memref<10240x128xf32, #tpu.memory_space<hbm>> -> memref<10240x128xf32, #tpu.memory_space<hbm>>
    tpu.wait_indirect_dma semaphore(%arg8 : memref<!tpu.dma_semaphore, #tpu.memory_space<semaphore_mem>>) src(%dma_wait3A_15 : memref<10240x128xf32, #tpu.memory_space<hbm>>) dst(%arg6 : memref<400x128xf32, #tpu.memory_space<vmem>>)
    %add3A_16 = arith.constant 0 : i32
    %add3A_17 = arith.addi %mul3A_2, %add3A_16 : i32
    %dma_start3A_18 = arith.constant 0 : i32
    %dma_start3A_19 = tpu.memref_slice %arg4[%add3A_17, %dma_start3A_18] : memref<51200x128xf32, #tpu.memory_space<hbm>> -> memref<400x128xf32, #tpu.memory_space<hbm>>
    %dma_start3A_20 = arith.constant 0 : i32
    %dma_start3A_21 = tpu.memref_slice %arg4[%add3A_17, %dma_start3A_20] : memref<51200x128xf32, #tpu.memory_space<hbm>> -> memref<400x128xf32, #tpu.memory_space<hbm>>
    tpu.enqueue_dma source(%arg6 : memref<400x128xf32, #tpu.memory_space<vmem>>) target(%dma_start3A_21 : memref<400x128xf32, #tpu.memory_space<hbm>>) target_semaphore(%arg10 : memref<!tpu.dma_semaphore, #tpu.memory_space<semaphore_mem>>)
    %dma_wait3A_22 = arith.constant 0 : i32
    %dma_wait3A_23 = tpu.memref_slice %arg4[%add3A_17, %dma_wait3A_22] : memref<51200x128xf32, #tpu.memory_space<hbm>> -> memref<400x128xf32, #tpu.memory_space<hbm>>
    %dma_wait3A_24 = arith.constant 0 : i32
    %dma_wait3A_25 = tpu.memref_slice %arg4[%add3A_17, %dma_wait3A_24] : memref<51200x128xf32, #tpu.memory_space<hbm>> -> memref<400x128xf32, #tpu.memory_space<hbm>>
    tpu.wait_dma2 semaphore(%arg10 : memref<!tpu.dma_semaphore, #tpu.memory_space<semaphore_mem>>) src(%arg6 : memref<400x128xf32, #tpu.memory_space<vmem>>) dst(%dma_wait3A_25 : memref<400x128xf32, #tpu.memory_space<hbm>>)
    %dma_start3A_26 = arith.constant 800 : i32
    %dma_start3A_27 = tpu.memref_slice %arg5[%dma_start3A_26] : memref<1600xi32, #tpu.memory_space<vmem>> -> memref<400xi32, #tpu.memory_space<vmem>>
    %dma_start3A_28 = arith.constant 0 : i32
    %dma_start3A_29 = arith.constant 0 : i32
    %dma_start3A_30 = tpu.memref_slice %arg2[%dma_start3A_28, %dma_start3A_29] : memref<10240x128xf32, #tpu.memory_space<hbm>> -> memref<10240x128xf32, #tpu.memory_space<hbm>>
    tpu.enqueue_indirect_dma source(%dma_start3A_30 : memref<10240x128xf32, #tpu.memory_space<hbm>>) target(%arg6 : memref<400x128xf32, #tpu.memory_space<vmem>>) offsets(%dma_start3A_27 : memref<400xi32, #tpu.memory_space<vmem>>) semaphore(%arg8 : memref<!tpu.dma_semaphore, #tpu.memory_space<semaphore_mem>>)
    %dma_wait3A_31 = arith.constant 400 : i32
    %dma_wait3A_32 = tpu.memref_slice %arg5[%dma_wait3A_31] : memref<1600xi32, #tpu.memory_space<vmem>> -> memref<400xi32, #tpu.memory_space<vmem>>
    %dma_wait3A_33 = arith.constant 0 : i32
    %dma_wait3A_34 = arith.constant 0 : i32
    %dma_wait3A_35 = tpu.memref_slice %arg2[%dma_wait3A_33, %dma_wait3A_34] : memref<10240x128xf32, #tpu.memory_space<hbm>> -> memref<10240x128xf32, #tpu.memory_space<hbm>>
    tpu.wait_indirect_dma semaphore(%arg9 : memref<!tpu.dma_semaphore, #tpu.memory_space<semaphore_mem>>) src(%dma_wait3A_35 : memref<10240x128xf32, #tpu.memory_space<hbm>>) dst(%arg7 : memref<400x128xf32, #tpu.memory_space<vmem>>)
    %add3A_36 = arith.constant 400 : i32
    %add3A_37 = arith.addi %mul3A_2, %add3A_36 : i32
    %dma_start3A_38 = arith.constant 0 : i32
    %dma_start3A_39 = tpu.memref_slice %arg4[%add3A_37, %dma_start3A_38] : memref<51200x128xf32, #tpu.memory_space<hbm>> -> memref<400x128xf32, #tpu.memory_space<hbm>>
    %dma_start3A_40 = arith.constant 0 : i32
    %dma_start3A_41 = tpu.memref_slice %arg4[%add3A_37, %dma_start3A_40] : memref<51200x128xf32, #tpu.memory_space<hbm>> -> memref<400x128xf32, #tpu.memory_space<hbm>>
    tpu.enqueue_dma source(%arg7 : memref<400x128xf32, #tpu.memory_space<vmem>>) target(%dma_start3A_41 : memref<400x128xf32, #tpu.memory_space<hbm>>) target_semaphore(%arg11 : memref<!tpu.dma_semaphore, #tpu.memory_space<semaphore_mem>>)
    %dma_wait3A_42 = arith.constant 0 : i32
    %dma_wait3A_43 = tpu.memref_slice %arg4[%add3A_37, %dma_wait3A_42] : memref<51200x128xf32, #tpu.memory_space<hbm>> -> memref<400x128xf32, #tpu.memory_space<hbm>>
    %dma_wait3A_44 = arith.constant 0 : i32
    %dma_wait3A_45 = tpu.memref_slice %arg4[%add3A_37, %dma_wait3A_44] : memref<51200x128xf32, #tpu.memory_space<hbm>> -> memref<400x128xf32, #tpu.memory_space<hbm>>
    tpu.wait_dma2 semaphore(%arg11 : memref<!tpu.dma_semaphore, #tpu.memory_space<semaphore_mem>>) src(%arg7 : memref<400x128xf32, #tpu.memory_space<vmem>>) dst(%dma_wait3A_45 : memref<400x128xf32, #tpu.memory_space<hbm>>)
    %dma_start3A_46 = arith.constant 1200 : i32
    %dma_start3A_47 = tpu.memref_slice %arg5[%dma_start3A_46] : memref<1600xi32, #tpu.memory_space<vmem>> -> memref<400xi32, #tpu.memory_space<vmem>>
    %dma_start3A_48 = arith.constant 0 : i32
    %dma_start3A_49 = arith.constant 0 : i32
    %dma_start3A_50 = tpu.memref_slice %arg2[%dma_start3A_48, %dma_start3A_49] : memref<10240x128xf32, #tpu.memory_space<hbm>> -> memref<10240x128xf32, #tpu.memory_space<hbm>>
    tpu.enqueue_indirect_dma source(%dma_start3A_50 : memref<10240x128xf32, #tpu.memory_space<hbm>>) target(%arg7 : memref<400x128xf32, #tpu.memory_space<vmem>>) offsets(%dma_start3A_47 : memref<400xi32, #tpu.memory_space<vmem>>) semaphore(%arg9 : memref<!tpu.dma_semaphore, #tpu.memory_space<semaphore_mem>>)
    %dma_wait3A_51 = arith.constant 800 : i32
    %dma_wait3A_52 = tpu.memref_slice %arg5[%dma_wait3A_51] : memref<1600xi32, #tpu.memory_space<vmem>> -> memref<400xi32, #tpu.memory_space<vmem>>
    %dma_wait3A_53 = arith.constant 0 : i32
    %dma_wait3A_54 = arith.constant 0 : i32
    %dma_wait3A_55 = tpu.memref_slice %arg2[%dma_wait3A_53, %dma_wait3A_54] : memref<10240x128xf32, #tpu.memory_space<hbm>> -> memref<10240x128xf32, #tpu.memory_space<hbm>>
    tpu.wait_indirect_dma semaphore(%arg8 : memref<!tpu.dma_semaphore, #tpu.memory_space<semaphore_mem>>) src(%dma_wait3A_55 : memref<10240x128xf32, #tpu.memory_space<hbm>>) dst(%arg6 : memref<400x128xf32, #tpu.memory_space<vmem>>)
    %add3A_56 = arith.constant 800 : i32
    %add3A_57 = arith.addi %mul3A_2, %add3A_56 : i32
    %dma_start3A_58 = arith.constant 0 : i32
    %dma_start3A_59 = tpu.memref_slice %arg4[%add3A_57, %dma_start3A_58] : memref<51200x128xf32, #tpu.memory_space<hbm>> -> memref<400x128xf32, #tpu.memory_space<hbm>>
    %dma_start3A_60 = arith.constant 0 : i32
    %dma_start3A_61 = tpu.memref_slice %arg4[%add3A_57, %dma_start3A_60] : memref<51200x128xf32, #tpu.memory_space<hbm>> -> memref<400x128xf32, #tpu.memory_space<hbm>>
    tpu.enqueue_dma source(%arg6 : memref<400x128xf32, #tpu.memory_space<vmem>>) target(%dma_start3A_61 : memref<400x128xf32, #tpu.memory_space<hbm>>) target_semaphore(%arg10 : memref<!tpu.dma_semaphore, #tpu.memory_space<semaphore_mem>>)
    %dma_wait3A_62 = arith.constant 1200 : i32
    %dma_wait3A_63 = tpu.memref_slice %arg5[%dma_wait3A_62] : memref<1600xi32, #tpu.memory_space<vmem>> -> memref<400xi32, #tpu.memory_space<vmem>>
    %dma_wait3A_64 = arith.constant 0 : i32
    %dma_wait3A_65 = arith.constant 0 : i32
    %dma_wait3A_66 = tpu.memref_slice %arg2[%dma_wait3A_64, %dma_wait3A_65] : memref<10240x128xf32, #tpu.memory_space<hbm>> -> memref<10240x128xf32, #tpu.memory_space<hbm>>
    tpu.wait_indirect_dma semaphore(%arg9 : memref<!tpu.dma_semaphore, #tpu.memory_space<semaphore_mem>>) src(%dma_wait3A_66 : memref<10240x128xf32, #tpu.memory_space<hbm>>) dst(%arg7 : memref<400x128xf32, #tpu.memory_space<vmem>>)
    %add3A_67 = arith.constant 1200 : i32
    %add3A_68 = arith.addi %mul3A_2, %add3A_67 : i32
    %dma_start3A_69 = arith.constant 0 : i32
    %dma_start3A_70 = tpu.memref_slice %arg4[%add3A_68, %dma_start3A_69] : memref<51200x128xf32, #tpu.memory_space<hbm>> -> memref<400x128xf32, #tpu.memory_space<hbm>>
    %dma_start3A_71 = arith.constant 0 : i32
    %dma_start3A_72 = tpu.memref_slice %arg4[%add3A_68, %dma_start3A_71] : memref<51200x128xf32, #tpu.memory_space<hbm>> -> memref<400x128xf32, #tpu.memory_space<hbm>>
    tpu.enqueue_dma source(%arg7 : memref<400x128xf32, #tpu.memory_space<vmem>>) target(%dma_start3A_72 : memref<400x128xf32, #tpu.memory_space<hbm>>) target_semaphore(%arg11 : memref<!tpu.dma_semaphore, #tpu.memory_space<semaphore_mem>>)
    %dma_wait3A_73 = arith.constant 0 : i32
    %dma_wait3A_74 = tpu.memref_slice %arg4[%add3A_57, %dma_wait3A_73] : memref<51200x128xf32, #tpu.memory_space<hbm>> -> memref<400x128xf32, #tpu.memory_space<hbm>>
    %dma_wait3A_75 = arith.constant 0 : i32
    %dma_wait3A_76 = tpu.memref_slice %arg4[%add3A_57, %dma_wait3A_75] : memref<51200x128xf32, #tpu.memory_space<hbm>> -> memref<400x128xf32, #tpu.memory_space<hbm>>
    tpu.wait_dma2 semaphore(%arg10 : memref<!tpu.dma_semaphore, #tpu.memory_space<semaphore_mem>>) src(%arg6 : memref<400x128xf32, #tpu.memory_space<vmem>>) dst(%dma_wait3A_76 : memref<400x128xf32, #tpu.memory_space<hbm>>)
    %dma_wait3A_77 = arith.constant 0 : i32
    %dma_wait3A_78 = tpu.memref_slice %arg4[%add3A_68, %dma_wait3A_77] : memref<51200x128xf32, #tpu.memory_space<hbm>> -> memref<400x128xf32, #tpu.memory_space<hbm>>
    %dma_wait3A_79 = arith.constant 0 : i32
    %dma_wait3A_80 = tpu.memref_slice %arg4[%add3A_68, %dma_wait3A_79] : memref<51200x128xf32, #tpu.memory_space<hbm>> -> memref<400x128xf32, #tpu.memory_space<hbm>>
    tpu.wait_dma2 semaphore(%arg11 : memref<!tpu.dma_semaphore, #tpu.memory_space<semaphore_mem>>) src(%arg7 : memref<400x128xf32, #tpu.memory_space<vmem>>) dst(%dma_wait3A_80 : memref<400x128xf32, #tpu.memory_space<hbm>>)
    return
  }
}

#map = affine_map<(d0, d1) -> (0, 0)>
#map1 = affine_map<(d0, d1) -> (0)>
module attributes {stable_mosaic.version = 14 : i64} {
  func.func @gather(%arg0: i32, %arg1: i32, %arg2: memref<10240x64xf32, #tpu.memory_space<hbm>>, %arg3: memref<51200xi32, #tpu.memory_space<hbm>>, %arg4: memref<51200x64xf32, #tpu.memory_space<hbm>>, %arg5: memref<1600xi32, #tpu.memory_space<vmem>>, %arg6: memref<800x64xf32, #tpu.memory_space<vmem>>, %arg7: memref<800x64xf32, #tpu.memory_space<vmem>>, %arg8: memref<!tpu.dma_semaphore, #tpu.memory_space<semaphore_mem>>, %arg9: memref<!tpu.dma_semaphore, #tpu.memory_space<semaphore_mem>>, %arg10: memref<!tpu.dma_semaphore, #tpu.memory_space<semaphore_mem>>, %arg11: memref<!tpu.dma_semaphore, #tpu.memory_space<semaphore_mem>>) attributes {dimension_semantics = [#tpu.dimension_semantics<core_parallel>, #tpu.dimension_semantics<subcore_parallel>], iteration_bounds = array<i64: 2, 16>, scalar_prefetch = 0 : i64, scratch_operands = 7 : i64, tpu.core_type = #tpu.core_type<sc_vector_subcore>, window_params = [{transform_indices = #map}, {transform_indices = #map1}, {transform_indices = #map}]} {
    %mul3A = arith.constant 2 : i32
    %mul3A_0 = arith.muli %arg1, %mul3A : i32
    %add3A = arith.addi %mul3A_0, %arg0 : i32
    %mul3A_1 = arith.constant 1600 : i32
    %mul3A_2 = arith.muli %add3A, %mul3A_1 : i32
    "tpu.region"() ({
      %run_scoped3A = tpu.sem_alloc : memref<!tpu.dma_semaphore, #tpu.memory_space<semaphore_mem>>
      %dma_start3A_41 = tpu.memref_slice %arg3[%mul3A_2] : memref<51200xi32, #tpu.memory_space<hbm>> -> memref<1600xi32, #tpu.memory_space<hbm>>
      %dma_start3A_42 = tpu.memref_slice %arg3[%mul3A_2] : memref<51200xi32, #tpu.memory_space<hbm>> -> memref<1600xi32, #tpu.memory_space<hbm>>
      tpu.enqueue_dma source(%dma_start3A_42 : memref<1600xi32, #tpu.memory_space<hbm>>) target(%arg5 : memref<1600xi32, #tpu.memory_space<vmem>>) target_semaphore(%run_scoped3A : memref<!tpu.dma_semaphore, #tpu.memory_space<semaphore_mem>>)
      %dma_wait3A_43 = tpu.memref_slice %arg3[%mul3A_2] : memref<51200xi32, #tpu.memory_space<hbm>> -> memref<1600xi32, #tpu.memory_space<hbm>>
      %dma_wait3A_44 = tpu.memref_slice %arg3[%mul3A_2] : memref<51200xi32, #tpu.memory_space<hbm>> -> memref<1600xi32, #tpu.memory_space<hbm>>
      tpu.wait_dma2 semaphore(%run_scoped3A : memref<!tpu.dma_semaphore, #tpu.memory_space<semaphore_mem>>) src(%dma_wait3A_44 : memref<1600xi32, #tpu.memory_space<hbm>>) dst(%arg5 : memref<1600xi32, #tpu.memory_space<vmem>>)
      tpu.yield
    }) : () -> ()
    %dma_start3A = arith.constant 0 : i32
    %dma_start3A_3 = tpu.memref_slice %arg5[%dma_start3A] : memref<1600xi32, #tpu.memory_space<vmem>> -> memref<800xi32, #tpu.memory_space<vmem>>
    %dma_start3A_4 = arith.constant 0 : i32
    %dma_start3A_5 = arith.constant 0 : i32
    %dma_start3A_6 = tpu.memref_slice %arg2[%dma_start3A_4, %dma_start3A_5] : memref<10240x64xf32, #tpu.memory_space<hbm>> -> memref<10240x64xf32, #tpu.memory_space<hbm>>
    tpu.enqueue_indirect_dma source(%dma_start3A_6 : memref<10240x64xf32, #tpu.memory_space<hbm>>) target(%arg6 : memref<800x64xf32, #tpu.memory_space<vmem>>) offsets(%dma_start3A_3 : memref<800xi32, #tpu.memory_space<vmem>>) semaphore(%arg8 : memref<!tpu.dma_semaphore, #tpu.memory_space<semaphore_mem>>)
    %dma_start3A_7 = arith.constant 800 : i32
    %dma_start3A_8 = tpu.memref_slice %arg5[%dma_start3A_7] : memref<1600xi32, #tpu.memory_space<vmem>> -> memref<800xi32, #tpu.memory_space<vmem>>
    %dma_start3A_9 = arith.constant 0 : i32
    %dma_start3A_10 = arith.constant 0 : i32
    %dma_start3A_11 = tpu.memref_slice %arg2[%dma_start3A_9, %dma_start3A_10] : memref<10240x64xf32, #tpu.memory_space<hbm>> -> memref<10240x64xf32, #tpu.memory_space<hbm>>
    tpu.enqueue_indirect_dma source(%dma_start3A_11 : memref<10240x64xf32, #tpu.memory_space<hbm>>) target(%arg7 : memref<800x64xf32, #tpu.memory_space<vmem>>) offsets(%dma_start3A_8 : memref<800xi32, #tpu.memory_space<vmem>>) semaphore(%arg9 : memref<!tpu.dma_semaphore, #tpu.memory_space<semaphore_mem>>)
    %dma_wait3A = arith.constant 0 : i32
    %dma_wait3A_12 = tpu.memref_slice %arg5[%dma_wait3A] : memref<1600xi32, #tpu.memory_space<vmem>> -> memref<800xi32, #tpu.memory_space<vmem>>
    %dma_wait3A_13 = arith.constant 0 : i32
    %dma_wait3A_14 = arith.constant 0 : i32
    %dma_wait3A_15 = tpu.memref_slice %arg2[%dma_wait3A_13, %dma_wait3A_14] : memref<10240x64xf32, #tpu.memory_space<hbm>> -> memref<10240x64xf32, #tpu.memory_space<hbm>>
    tpu.wait_indirect_dma semaphore(%arg8 : memref<!tpu.dma_semaphore, #tpu.memory_space<semaphore_mem>>) src(%dma_wait3A_15 : memref<10240x64xf32, #tpu.memory_space<hbm>>) dst(%arg6 : memref<800x64xf32, #tpu.memory_space<vmem>>)
    %add3A_16 = arith.constant 0 : i32
    %add3A_17 = arith.addi %mul3A_2, %add3A_16 : i32
    %dma_start3A_18 = arith.constant 0 : i32
    %dma_start3A_19 = tpu.memref_slice %arg4[%add3A_17, %dma_start3A_18] : memref<51200x64xf32, #tpu.memory_space<hbm>> -> memref<800x64xf32, #tpu.memory_space<hbm>>
    %dma_start3A_20 = arith.constant 0 : i32
    %dma_start3A_21 = tpu.memref_slice %arg4[%add3A_17, %dma_start3A_20] : memref<51200x64xf32, #tpu.memory_space<hbm>> -> memref<800x64xf32, #tpu.memory_space<hbm>>
    tpu.enqueue_dma source(%arg6 : memref<800x64xf32, #tpu.memory_space<vmem>>) target(%dma_start3A_21 : memref<800x64xf32, #tpu.memory_space<hbm>>) target_semaphore(%arg10 : memref<!tpu.dma_semaphore, #tpu.memory_space<semaphore_mem>>)
    %dma_wait3A_22 = arith.constant 800 : i32
    %dma_wait3A_23 = tpu.memref_slice %arg5[%dma_wait3A_22] : memref<1600xi32, #tpu.memory_space<vmem>> -> memref<800xi32, #tpu.memory_space<vmem>>
    %dma_wait3A_24 = arith.constant 0 : i32
    %dma_wait3A_25 = arith.constant 0 : i32
    %dma_wait3A_26 = tpu.memref_slice %arg2[%dma_wait3A_24, %dma_wait3A_25] : memref<10240x64xf32, #tpu.memory_space<hbm>> -> memref<10240x64xf32, #tpu.memory_space<hbm>>
    tpu.wait_indirect_dma semaphore(%arg9 : memref<!tpu.dma_semaphore, #tpu.memory_space<semaphore_mem>>) src(%dma_wait3A_26 : memref<10240x64xf32, #tpu.memory_space<hbm>>) dst(%arg7 : memref<800x64xf32, #tpu.memory_space<vmem>>)
    %add3A_27 = arith.constant 800 : i32
    %add3A_28 = arith.addi %mul3A_2, %add3A_27 : i32
    %dma_start3A_29 = arith.constant 0 : i32
    %dma_start3A_30 = tpu.memref_slice %arg4[%add3A_28, %dma_start3A_29] : memref<51200x64xf32, #tpu.memory_space<hbm>> -> memref<800x64xf32, #tpu.memory_space<hbm>>
    %dma_start3A_31 = arith.constant 0 : i32
    %dma_start3A_32 = tpu.memref_slice %arg4[%add3A_28, %dma_start3A_31] : memref<51200x64xf32, #tpu.memory_space<hbm>> -> memref<800x64xf32, #tpu.memory_space<hbm>>
    tpu.enqueue_dma source(%arg7 : memref<800x64xf32, #tpu.memory_space<vmem>>) target(%dma_start3A_32 : memref<800x64xf32, #tpu.memory_space<hbm>>) target_semaphore(%arg11 : memref<!tpu.dma_semaphore, #tpu.memory_space<semaphore_mem>>)
    %dma_wait3A_33 = arith.constant 0 : i32
    %dma_wait3A_34 = tpu.memref_slice %arg4[%add3A_17, %dma_wait3A_33] : memref<51200x64xf32, #tpu.memory_space<hbm>> -> memref<800x64xf32, #tpu.memory_space<hbm>>
    %dma_wait3A_35 = arith.constant 0 : i32
    %dma_wait3A_36 = tpu.memref_slice %arg4[%add3A_17, %dma_wait3A_35] : memref<51200x64xf32, #tpu.memory_space<hbm>> -> memref<800x64xf32, #tpu.memory_space<hbm>>
    tpu.wait_dma2 semaphore(%arg10 : memref<!tpu.dma_semaphore, #tpu.memory_space<semaphore_mem>>) src(%arg6 : memref<800x64xf32, #tpu.memory_space<vmem>>) dst(%dma_wait3A_36 : memref<800x64xf32, #tpu.memory_space<hbm>>)
    %dma_wait3A_37 = arith.constant 0 : i32
    %dma_wait3A_38 = tpu.memref_slice %arg4[%add3A_28, %dma_wait3A_37] : memref<51200x64xf32, #tpu.memory_space<hbm>> -> memref<800x64xf32, #tpu.memory_space<hbm>>
    %dma_wait3A_39 = arith.constant 0 : i32
    %dma_wait3A_40 = tpu.memref_slice %arg4[%add3A_28, %dma_wait3A_39] : memref<51200x64xf32, #tpu.memory_space<hbm>> -> memref<800x64xf32, #tpu.memory_space<hbm>>
    tpu.wait_dma2 semaphore(%arg11 : memref<!tpu.dma_semaphore, #tpu.memory_space<semaphore_mem>>) src(%arg7 : memref<800x64xf32, #tpu.memory_space<vmem>>) dst(%dma_wait3A_40 : memref<800x64xf32, #tpu.memory_space<hbm>>)
    return
  }
}

module attributes {stable_mosaic.version = 14 : i64} {
  func.func @_knn_kernel(%arg0: i32, %arg1: memref<400x3xf32, #tpu.memory_space<vmem>>, %arg2: memref<3x10000xf32, #tpu.memory_space<vmem>>, %arg3: memref<3x32xf32, #tpu.memory_space<vmem>>, %arg4: memref<1x32xf32, #tpu.memory_space<vmem>>, %arg5: memref<3x32xf32, #tpu.memory_space<vmem>>, %arg6: memref<400x5xi32, #tpu.memory_space<vmem>>, %arg7: memref<400x32xf32, #tpu.memory_space<vmem>>, %arg8: memref<400x32xf32, #tpu.memory_space<vmem>>) attributes {dimension_semantics = [#tpu.dimension_semantics<arbitrary>], iteration_bounds = array<i64: 25>, scalar_prefetch = 0 : i64, scratch_operands = 0 : i64, tpu.core_type = #tpu.core_type<tc>, window_params = [{transform_indices = @transform_0, window_bounds = array<i64: 400, 3>}, {pipeline_mode = #tpu.pipeline_mode<synchronous>, transform_indices = @transform_1, window_bounds = array<i64: 3, 10000>}, {pipeline_mode = #tpu.pipeline_mode<synchronous>, transform_indices = @transform_2, window_bounds = array<i64: 3, 32>}, {pipeline_mode = #tpu.pipeline_mode<synchronous>, transform_indices = @transform_3, window_bounds = array<i64: 1, 32>}, {pipeline_mode = #tpu.pipeline_mode<synchronous>, transform_indices = @transform_4, window_bounds = array<i64: 3, 32>}, {transform_indices = @transform_5, window_bounds = array<i64: 400, 5>}, {transform_indices = @transform_6, window_bounds = array<i64: 400, 32>}, {transform_indices = @transform_7, window_bounds = array<i64: 400, 32>}]} {
    %get3A = arith.constant 0 : index
    %get3A_0 = arith.constant 0 : index
    %get3A_1 = vector.load %arg1[%get3A, %get3A_0] : memref<400x3xf32, #tpu.memory_space<vmem>>, vector<400x3xf32>
    %slice3A = vector.extract_strided_slice %get3A_1 {offsets = [0, 0], sizes = [400, 1], strides = [1, 1]} : vector<400x3xf32> to vector<400x1xf32>
    %get3A_2 = arith.constant 0 : index
    %get3A_3 = arith.constant 0 : index
    %get3A_4 = vector.load %arg2[%get3A_2, %get3A_3] : memref<3x10000xf32, #tpu.memory_space<vmem>>, vector<1x10000xf32>
    %sub3A = vector.broadcast %slice3A : vector<400x1xf32> to vector<400x10000xf32>
    %sub3A_5 = vector.broadcast %get3A_4 : vector<1x10000xf32> to vector<400x10000xf32>
    %sub3A_6 = arith.subf %sub3A, %sub3A_5 : vector<400x10000xf32>
    %mul3A = arith.mulf %sub3A_6, %sub3A_6 : vector<400x10000xf32>
    %slice3A_7 = vector.extract_strided_slice %get3A_1 {offsets = [0, 1], sizes = [400, 1], strides = [1, 1]} : vector<400x3xf32> to vector<400x1xf32>
    %get3A_8 = arith.constant 1 : index
    %get3A_9 = arith.constant 0 : index
    %get3A_10 = vector.load %arg2[%get3A_8, %get3A_9] : memref<3x10000xf32, #tpu.memory_space<vmem>>, vector<1x10000xf32>
    %sub3A_11 = vector.broadcast %slice3A_7 : vector<400x1xf32> to vector<400x10000xf32>
    %sub3A_12 = vector.broadcast %get3A_10 : vector<1x10000xf32> to vector<400x10000xf32>
    %sub3A_13 = arith.subf %sub3A_11, %sub3A_12 : vector<400x10000xf32>
    %mul3A_14 = arith.mulf %sub3A_13, %sub3A_13 : vector<400x10000xf32>
    %add3A = arith.addf %mul3A, %mul3A_14 : vector<400x10000xf32>
    %slice3A_15 = vector.extract_strided_slice %get3A_1 {offsets = [0, 2], sizes = [400, 1], strides = [1, 1]} : vector<400x3xf32> to vector<400x1xf32>
    %get3A_16 = arith.constant 2 : index
    %get3A_17 = arith.constant 0 : index
    %get3A_18 = vector.load %arg2[%get3A_16, %get3A_17] : memref<3x10000xf32, #tpu.memory_space<vmem>>, vector<1x10000xf32>
    %sub3A_19 = vector.broadcast %slice3A_15 : vector<400x1xf32> to vector<400x10000xf32>
    %sub3A_20 = vector.broadcast %get3A_18 : vector<1x10000xf32> to vector<400x10000xf32>
    %sub3A_21 = arith.subf %sub3A_19, %sub3A_20 : vector<400x10000xf32>
    %mul3A_22 = arith.mulf %sub3A_21, %sub3A_21 : vector<400x10000xf32>
    %add3A_23 = arith.addf %add3A, %mul3A_22 : vector<400x10000xf32>
    %iota3A = tpu.iota {dimensions = array<i32: 1>} : vector<400x10000xi32>
    %iota3A_24 = tpu.iota {dimensions = array<i32: 0>} : vector<400x10000xi32>
    %mul3A_25 = arith.constant 400 : i32
    %mul3A_26 = arith.muli %arg0, %mul3A_25 : i32
    %add3A_27 = vector.broadcast %mul3A_26 : i32 to vector<400x10000xi32>
    %add3A_28 = arith.addi %iota3A_24, %add3A_27 : vector<400x10000xi32>
    %eq3A = arith.cmpi eq, %iota3A, %add3A_28 : vector<400x10000xi32>
    %jit3A = arith.constant 0x7F800000 : f32
    %broadcast_in_dim3A = vector.broadcast %jit3A : f32 to vector<400x10000xf32>
    %select_n3A = arith.select %eq3A, %broadcast_in_dim3A, %add3A_23 : vector<400x10000xi1>, vector<400x10000xf32>
    %reduce_min3A = arith.constant dense<0x7F800000> : vector<400xf32>
    %reduce_min3A_29 = vector.multi_reduction <minimumf>, %select_n3A, %reduce_min3A [1] : vector<400x10000xf32> to vector<400xf32>
    %broadcast_in_dim3A_30 = vector.shape_cast %reduce_min3A_29 : vector<400xf32> to vector<400x1xf32>
    %eq3A_31 = vector.broadcast %broadcast_in_dim3A_30 : vector<400x1xf32> to vector<400x10000xf32>
    %eq3A_32 = arith.cmpf oeq, %select_n3A, %eq3A_31 : vector<400x10000xf32>
    %jit3A_33 = arith.constant 1073741824 : i32
    %broadcast_in_dim3A_34 = vector.broadcast %jit3A_33 : i32 to vector<400x10000xi32>
    %select_n3A_35 = arith.select %eq3A_32, %iota3A, %broadcast_in_dim3A_34 : vector<400x10000xi1>, vector<400x10000xi32>
    %reduce_min3A_36 = arith.constant dense<2147483647> : vector<400xi32>
    %reduce_min3A_37 = vector.multi_reduction <minsi>, %select_n3A_35, %reduce_min3A_36 [1] : vector<400x10000xi32> to vector<400xi32>
    %broadcast_in_dim3A_38 = vector.shape_cast %reduce_min3A_37 : vector<400xi32> to vector<400x1xi32>
    %eq3A_39 = vector.broadcast %broadcast_in_dim3A_38 : vector<400x1xi32> to vector<400x10000xi32>
    %eq3A_40 = arith.cmpi eq, %iota3A, %eq3A_39 : vector<400x10000xi32>
    %jit3A_41 = arith.constant 0x7F800000 : f32
    %broadcast_in_dim3A_42 = vector.broadcast %jit3A_41 : f32 to vector<400x10000xf32>
    %select_n3A_43 = arith.select %eq3A_40, %broadcast_in_dim3A_42, %select_n3A : vector<400x10000xi1>, vector<400x10000xf32>
    %reduce_min3A_44 = arith.constant dense<0x7F800000> : vector<400xf32>
    %reduce_min3A_45 = vector.multi_reduction <minimumf>, %select_n3A_43, %reduce_min3A_44 [1] : vector<400x10000xf32> to vector<400xf32>
    %broadcast_in_dim3A_46 = vector.shape_cast %reduce_min3A_45 : vector<400xf32> to vector<400x1xf32>
    %eq3A_47 = vector.broadcast %broadcast_in_dim3A_46 : vector<400x1xf32> to vector<400x10000xf32>
    %eq3A_48 = arith.cmpf oeq, %select_n3A_43, %eq3A_47 : vector<400x10000xf32>
    %jit3A_49 = arith.constant 1073741824 : i32
    %broadcast_in_dim3A_50 = vector.broadcast %jit3A_49 : i32 to vector<400x10000xi32>
    %select_n3A_51 = arith.select %eq3A_48, %iota3A, %broadcast_in_dim3A_50 : vector<400x10000xi1>, vector<400x10000xi32>
    %reduce_min3A_52 = arith.constant dense<2147483647> : vector<400xi32>
    %reduce_min3A_53 = vector.multi_reduction <minsi>, %select_n3A_51, %reduce_min3A_52 [1] : vector<400x10000xi32> to vector<400xi32>
    %broadcast_in_dim3A_54 = vector.shape_cast %reduce_min3A_53 : vector<400xi32> to vector<400x1xi32>
    %eq3A_55 = vector.broadcast %broadcast_in_dim3A_54 : vector<400x1xi32> to vector<400x10000xi32>
    %eq3A_56 = arith.cmpi eq, %iota3A, %eq3A_55 : vector<400x10000xi32>
    %jit3A_57 = arith.constant 0x7F800000 : f32
    %broadcast_in_dim3A_58 = vector.broadcast %jit3A_57 : f32 to vector<400x10000xf32>
    %select_n3A_59 = arith.select %eq3A_56, %broadcast_in_dim3A_58, %select_n3A_43 : vector<400x10000xi1>, vector<400x10000xf32>
    %reduce_min3A_60 = arith.constant dense<0x7F800000> : vector<400xf32>
    %reduce_min3A_61 = vector.multi_reduction <minimumf>, %select_n3A_59, %reduce_min3A_60 [1] : vector<400x10000xf32> to vector<400xf32>
    %broadcast_in_dim3A_62 = vector.shape_cast %reduce_min3A_61 : vector<400xf32> to vector<400x1xf32>
    %eq3A_63 = vector.broadcast %broadcast_in_dim3A_62 : vector<400x1xf32> to vector<400x10000xf32>
    %eq3A_64 = arith.cmpf oeq, %select_n3A_59, %eq3A_63 : vector<400x10000xf32>
    %jit3A_65 = arith.constant 1073741824 : i32
    %broadcast_in_dim3A_66 = vector.broadcast %jit3A_65 : i32 to vector<400x10000xi32>
    %select_n3A_67 = arith.select %eq3A_64, %iota3A, %broadcast_in_dim3A_66 : vector<400x10000xi1>, vector<400x10000xi32>
    %reduce_min3A_68 = arith.constant dense<2147483647> : vector<400xi32>
    %reduce_min3A_69 = vector.multi_reduction <minsi>, %select_n3A_67, %reduce_min3A_68 [1] : vector<400x10000xi32> to vector<400xi32>
    %broadcast_in_dim3A_70 = vector.shape_cast %reduce_min3A_69 : vector<400xi32> to vector<400x1xi32>
    %eq3A_71 = vector.broadcast %broadcast_in_dim3A_70 : vector<400x1xi32> to vector<400x10000xi32>
    %eq3A_72 = arith.cmpi eq, %iota3A, %eq3A_71 : vector<400x10000xi32>
    %jit3A_73 = arith.constant 0x7F800000 : f32
    %broadcast_in_dim3A_74 = vector.broadcast %jit3A_73 : f32 to vector<400x10000xf32>
    %select_n3A_75 = arith.select %eq3A_72, %broadcast_in_dim3A_74, %select_n3A_59 : vector<400x10000xi1>, vector<400x10000xf32>
    %reduce_min3A_76 = arith.constant dense<0x7F800000> : vector<400xf32>
    %reduce_min3A_77 = vector.multi_reduction <minimumf>, %select_n3A_75, %reduce_min3A_76 [1] : vector<400x10000xf32> to vector<400xf32>
    %broadcast_in_dim3A_78 = vector.shape_cast %reduce_min3A_77 : vector<400xf32> to vector<400x1xf32>
    %eq3A_79 = vector.broadcast %broadcast_in_dim3A_78 : vector<400x1xf32> to vector<400x10000xf32>
    %eq3A_80 = arith.cmpf oeq, %select_n3A_75, %eq3A_79 : vector<400x10000xf32>
    %jit3A_81 = arith.constant 1073741824 : i32
    %broadcast_in_dim3A_82 = vector.broadcast %jit3A_81 : i32 to vector<400x10000xi32>
    %select_n3A_83 = arith.select %eq3A_80, %iota3A, %broadcast_in_dim3A_82 : vector<400x10000xi1>, vector<400x10000xi32>
    %reduce_min3A_84 = arith.constant dense<2147483647> : vector<400xi32>
    %reduce_min3A_85 = vector.multi_reduction <minsi>, %select_n3A_83, %reduce_min3A_84 [1] : vector<400x10000xi32> to vector<400xi32>
    %broadcast_in_dim3A_86 = vector.shape_cast %reduce_min3A_85 : vector<400xi32> to vector<400x1xi32>
    %eq3A_87 = vector.broadcast %broadcast_in_dim3A_86 : vector<400x1xi32> to vector<400x10000xi32>
    %eq3A_88 = arith.cmpi eq, %iota3A, %eq3A_87 : vector<400x10000xi32>
    %jit3A_89 = arith.constant 0x7F800000 : f32
    %broadcast_in_dim3A_90 = vector.broadcast %jit3A_89 : f32 to vector<400x10000xf32>
    %select_n3A_91 = arith.select %eq3A_88, %broadcast_in_dim3A_90, %select_n3A_75 : vector<400x10000xi1>, vector<400x10000xf32>
    %reduce_min3A_92 = arith.constant dense<0x7F800000> : vector<400xf32>
    %reduce_min3A_93 = vector.multi_reduction <minimumf>, %select_n3A_91, %reduce_min3A_92 [1] : vector<400x10000xf32> to vector<400xf32>
    %broadcast_in_dim3A_94 = vector.shape_cast %reduce_min3A_93 : vector<400xf32> to vector<400x1xf32>
    %eq3A_95 = vector.broadcast %broadcast_in_dim3A_94 : vector<400x1xf32> to vector<400x10000xf32>
    %eq3A_96 = arith.cmpf oeq, %select_n3A_91, %eq3A_95 : vector<400x10000xf32>
    %jit3A_97 = arith.constant 1073741824 : i32
    %broadcast_in_dim3A_98 = vector.broadcast %jit3A_97 : i32 to vector<400x10000xi32>
    %select_n3A_99 = arith.select %eq3A_96, %iota3A, %broadcast_in_dim3A_98 : vector<400x10000xi1>, vector<400x10000xi32>
    %reduce_min3A_100 = arith.constant dense<2147483647> : vector<400xi32>
    %reduce_min3A_101 = vector.multi_reduction <minsi>, %select_n3A_99, %reduce_min3A_100 [1] : vector<400x10000xi32> to vector<400xi32>
    %broadcast_in_dim3A_102 = vector.shape_cast %reduce_min3A_101 : vector<400xi32> to vector<400x1xi32>
    %concatenate3A = tpu.concatenate %broadcast_in_dim3A_38, %broadcast_in_dim3A_54, %broadcast_in_dim3A_70, %broadcast_in_dim3A_86, %broadcast_in_dim3A_102 in 1 : vector<400x1xi32>, vector<400x1xi32>, vector<400x1xi32>, vector<400x1xi32>, vector<400x1xi32> -> vector<400x5xi32>
    %swap3A = arith.constant 0 : index
    %swap3A_103 = arith.constant 0 : index
    %swap3A_104 = vector.load %arg6[%swap3A, %swap3A_103] : memref<400x5xi32, #tpu.memory_space<vmem>>, vector<400x5xi32>
    tpu.vector_store %arg6[%swap3A, %swap3A_103], %concatenate3A {strides = array<i32>} : memref<400x5xi32, #tpu.memory_space<vmem>>, vector<400x5xi32>,
    %get3A_105 = arith.constant 0 : index
    %get3A_106 = arith.constant 0 : index
    %get3A_107 = vector.load %arg5[%get3A_105, %get3A_106] : memref<3x32xf32, #tpu.memory_space<vmem>>, vector<3x32xf32>
    %dot_general3A = arith.constant dense<0.000000e+00> : vector<400x32xf32>
    %dot_general3A_108 = tpu.matmul %get3A_1, %get3A_107, %dot_general3A {dimension_numbers = #tpu.dot_dimension_numbers<[1], [0], [0], [1], [0, 0, 1, 1], [], []>, transpose_lhs_hint = false} : vector<400x3xf32>, vector<3x32xf32>, vector<400x32xf32> -> vector<400x32xf32>
    %get3A_109 = arith.constant 0 : index
    %get3A_110 = arith.constant 0 : index
    %get3A_111 = vector.load %arg3[%get3A_109, %get3A_110] : memref<3x32xf32, #tpu.memory_space<vmem>>, vector<3x32xf32>
    %dot_general3A_112 = arith.constant dense<0.000000e+00> : vector<400x32xf32>
    %dot_general3A_113 = tpu.matmul %get3A_1, %get3A_111, %dot_general3A_112 {dimension_numbers = #tpu.dot_dimension_numbers<[1], [0], [0], [1], [0, 0, 1, 1], [], []>, transpose_lhs_hint = false} : vector<400x3xf32>, vector<3x32xf32>, vector<400x32xf32> -> vector<400x32xf32>
    %get3A_114 = arith.constant 0 : index
    %get3A_115 = arith.constant 0 : index
    %get3A_116 = vector.load %arg4[%get3A_114, %get3A_115] : memref<1x32xf32, #tpu.memory_space<vmem>>, vector<1x32xf32>
    %add3A_117 = vector.broadcast %get3A_116 : vector<1x32xf32> to vector<400x32xf32>
    %add3A_118 = arith.addf %dot_general3A_113, %add3A_117 : vector<400x32xf32>
    %swap3A_119 = arith.constant 0 : index
    %swap3A_120 = arith.constant 0 : index
    %swap3A_121 = vector.load %arg7[%swap3A_119, %swap3A_120] : memref<400x32xf32, #tpu.memory_space<vmem>>, vector<400x32xf32>
    tpu.vector_store %arg7[%swap3A_119, %swap3A_120], %add3A_118 {strides = array<i32>} : memref<400x32xf32, #tpu.memory_space<vmem>>, vector<400x32xf32>,
    %swap3A_122 = arith.constant 0 : index
    %swap3A_123 = arith.constant 0 : index
    %swap3A_124 = vector.load %arg8[%swap3A_122, %swap3A_123] : memref<400x32xf32, #tpu.memory_space<vmem>>, vector<400x32xf32>
    tpu.vector_store %arg8[%swap3A_122, %swap3A_123], %dot_general3A_108 {strides = array<i32>} : memref<400x32xf32, #tpu.memory_space<vmem>>, vector<400x32xf32>,
    return
  }
  func.func @transform_0(%arg0: i32) -> (i32, i32) {
    %c0_i32 = arith.constant 0 : i32
    %c0_i32_0 = arith.constant 0 : i32
    return %arg0, %c0_i32 : i32, i32
  }
  func.func @transform_1(%arg0: i32) -> (i32, i32) {
    %c0_i32 = arith.constant 0 : i32
    %c0_i32_0 = arith.constant 0 : i32
    %c0_i32_1 = arith.constant 0 : i32
    return %c0_i32, %c0_i32_0 : i32, i32
  }
  func.func @transform_2(%arg0: i32) -> (i32, i32) {
    %c0_i32 = arith.constant 0 : i32
    %c0_i32_0 = arith.constant 0 : i32
    %c0_i32_1 = arith.constant 0 : i32
    return %c0_i32, %c0_i32_0 : i32, i32
  }
  func.func @transform_3(%arg0: i32) -> (i32, i32) {
    %c0_i32 = arith.constant 0 : i32
    %c0_i32_0 = arith.constant 0 : i32
    %c0_i32_1 = arith.constant 0 : i32
    return %c0_i32, %c0_i32_0 : i32, i32
  }
  func.func @transform_4(%arg0: i32) -> (i32, i32) {
    %c0_i32 = arith.constant 0 : i32
    %c0_i32_0 = arith.constant 0 : i32
    %c0_i32_1 = arith.constant 0 : i32
    return %c0_i32, %c0_i32_0 : i32, i32
  }
  func.func @transform_5(%arg0: i32) -> (i32, i32) {
    %c0_i32 = arith.constant 0 : i32
    %c0_i32_0 = arith.constant 0 : i32
    return %arg0, %c0_i32 : i32, i32
  }
  func.func @transform_6(%arg0: i32) -> (i32, i32) {
    %c0_i32 = arith.constant 0 : i32
    %c0_i32_0 = arith.constant 0 : i32
    return %arg0, %c0_i32 : i32, i32
  }
  func.func @transform_7(%arg0: i32) -> (i32, i32) {
    %c0_i32 = arith.constant 0 : i32
    %c0_i32_0 = arith.constant 0 : i32
    return %arg0, %c0_i32 : i32, i32
  }
}

module attributes {stable_mosaic.version = 14 : i64} {
  func.func @_conv_mid_kernel(%arg0: i32, %arg1: memref<2048x5x32xf32, #tpu.memory_space<vmem>>, %arg2: memref<2048x32xf32, #tpu.memory_space<vmem>>, %arg3: memref<2048x32xf32, #tpu.memory_space<vmem>>, %arg4: memref<2048x3xf32, #tpu.memory_space<vmem>>, %arg5: memref<32x32xf32, #tpu.memory_space<vmem>>, %arg6: memref<1x32xf32, #tpu.memory_space<vmem>>, %arg7: memref<32x64xf32, #tpu.memory_space<vmem>>, %arg8: memref<3x64xf32, #tpu.memory_space<vmem>>, %arg9: memref<1x64xf32, #tpu.memory_space<vmem>>, %arg10: memref<2048x32xf32, #tpu.memory_space<vmem>>, %arg11: memref<2048x64xf32, #tpu.memory_space<vmem>>, %arg12: memref<2048x64xf32, #tpu.memory_space<vmem>>) attributes {dimension_semantics = [#tpu.dimension_semantics<arbitrary>], iteration_bounds = array<i64: 5>, scalar_prefetch = 0 : i64, scratch_operands = 0 : i64, tpu.core_type = #tpu.core_type<tc>, window_params = [{transform_indices = @transform_0, window_bounds = array<i64: 2048, 5, 32>}, {transform_indices = @transform_1, window_bounds = array<i64: 2048, 32>}, {transform_indices = @transform_2, window_bounds = array<i64: 2048, 32>}, {transform_indices = @transform_3, window_bounds = array<i64: 2048, 3>}, {pipeline_mode = #tpu.pipeline_mode<synchronous>, transform_indices = @transform_4, window_bounds = array<i64: 32, 32>}, {pipeline_mode = #tpu.pipeline_mode<synchronous>, transform_indices = @transform_5, window_bounds = array<i64: 1, 32>}, {pipeline_mode = #tpu.pipeline_mode<synchronous>, transform_indices = @transform_6, window_bounds = array<i64: 32, 64>}, {pipeline_mode = #tpu.pipeline_mode<synchronous>, transform_indices = @transform_7, window_bounds = array<i64: 3, 64>}, {pipeline_mode = #tpu.pipeline_mode<synchronous>, transform_indices = @transform_8, window_bounds = array<i64: 1, 64>}, {transform_indices = @transform_9, window_bounds = array<i64: 2048, 32>}, {transform_indices = @transform_10, window_bounds = array<i64: 2048, 64>}, {transform_indices = @transform_11, window_bounds = array<i64: 2048, 64>}]} {
    %get3A = arith.constant 0 : index
    %get3A_0 = arith.constant 0 : index
    %get3A_1 = vector.load %arg3[%get3A, %get3A_0] : memref<2048x32xf32, #tpu.memory_space<vmem>>, vector<2048x32xf32>
    %get3A_2 = arith.constant 0 : index
    %get3A_3 = arith.constant 0 : index
    %get3A_4 = vector.load %arg5[%get3A_2, %get3A_3] : memref<32x32xf32, #tpu.memory_space<vmem>>, vector<32x32xf32>
    %get3A_5 = arith.constant 0 : index
    %get3A_6 = arith.constant 0 : index
    %get3A_7 = vector.load %arg2[%get3A_5, %get3A_6] : memref<2048x32xf32, #tpu.memory_space<vmem>>, vector<2048x32xf32>
    %sub3A = arith.subf %get3A_7, %get3A_1 : vector<2048x32xf32>
    %max3A = arith.constant 0.000000e+00 : f32
    %max3A_8 = vector.broadcast %max3A : f32 to vector<2048x32xf32>
    %max3A_9 = arith.maximumf %sub3A, %max3A_8 : vector<2048x32xf32>
    %dot_general3A = arith.constant dense<0.000000e+00> : vector<2048x32xf32>
    %dot_general3A_10 = tpu.matmul %max3A_9, %get3A_4, %dot_general3A {dimension_numbers = #tpu.dot_dimension_numbers<[1], [0], [0], [1], [0, 0, 1, 1], [], []>, transpose_lhs_hint = false} : vector<2048x32xf32>, vector<32x32xf32>, vector<2048x32xf32> -> vector<2048x32xf32>
    %get3A_11 = arith.constant 0 : index
    %get3A_12 = arith.constant 0 : index
    %get3A_13 = arith.constant 0 : index
    %get3A_14 = vector.load %arg1[%get3A_11, %get3A_12, %get3A_13] : memref<2048x5x32xf32, #tpu.memory_space<vmem>>, vector<2048x1x32xf32>
    %get3A_15 = vector.shape_cast %get3A_14 : vector<2048x1x32xf32> to vector<2048x32xf32>
    %sub3A_16 = arith.subf %get3A_15, %get3A_1 : vector<2048x32xf32>
    %max3A_17 = arith.constant 0.000000e+00 : f32
    %max3A_18 = vector.broadcast %max3A_17 : f32 to vector<2048x32xf32>
    %max3A_19 = arith.maximumf %sub3A_16, %max3A_18 : vector<2048x32xf32>
    %dot_general3A_20 = arith.constant dense<0.000000e+00> : vector<2048x32xf32>
    %dot_general3A_21 = tpu.matmul %max3A_19, %get3A_4, %dot_general3A_20 {dimension_numbers = #tpu.dot_dimension_numbers<[1], [0], [0], [1], [0, 0, 1, 1], [], []>, transpose_lhs_hint = false} : vector<2048x32xf32>, vector<32x32xf32>, vector<2048x32xf32> -> vector<2048x32xf32>
    %max3A_22 = arith.maximumf %dot_general3A_10, %dot_general3A_21 : vector<2048x32xf32>
    %get3A_23 = arith.constant 0 : index
    %get3A_24 = arith.constant 1 : index
    %get3A_25 = arith.constant 0 : index
    %get3A_26 = vector.load %arg1[%get3A_23, %get3A_24, %get3A_25] : memref<2048x5x32xf32, #tpu.memory_space<vmem>>, vector<2048x1x32xf32>
    %get3A_27 = vector.shape_cast %get3A_26 : vector<2048x1x32xf32> to vector<2048x32xf32>
    %sub3A_28 = arith.subf %get3A_27, %get3A_1 : vector<2048x32xf32>
    %max3A_29 = arith.constant 0.000000e+00 : f32
    %max3A_30 = vector.broadcast %max3A_29 : f32 to vector<2048x32xf32>
    %max3A_31 = arith.maximumf %sub3A_28, %max3A_30 : vector<2048x32xf32>
    %dot_general3A_32 = arith.constant dense<0.000000e+00> : vector<2048x32xf32>
    %dot_general3A_33 = tpu.matmul %max3A_31, %get3A_4, %dot_general3A_32 {dimension_numbers = #tpu.dot_dimension_numbers<[1], [0], [0], [1], [0, 0, 1, 1], [], []>, transpose_lhs_hint = false} : vector<2048x32xf32>, vector<32x32xf32>, vector<2048x32xf32> -> vector<2048x32xf32>
    %max3A_34 = arith.maximumf %max3A_22, %dot_general3A_33 : vector<2048x32xf32>
    %get3A_35 = arith.constant 0 : index
    %get3A_36 = arith.constant 2 : index
    %get3A_37 = arith.constant 0 : index
    %get3A_38 = vector.load %arg1[%get3A_35, %get3A_36, %get3A_37] : memref<2048x5x32xf32, #tpu.memory_space<vmem>>, vector<2048x1x32xf32>
    %get3A_39 = vector.shape_cast %get3A_38 : vector<2048x1x32xf32> to vector<2048x32xf32>
    %sub3A_40 = arith.subf %get3A_39, %get3A_1 : vector<2048x32xf32>
    %max3A_41 = arith.constant 0.000000e+00 : f32
    %max3A_42 = vector.broadcast %max3A_41 : f32 to vector<2048x32xf32>
    %max3A_43 = arith.maximumf %sub3A_40, %max3A_42 : vector<2048x32xf32>
    %dot_general3A_44 = arith.constant dense<0.000000e+00> : vector<2048x32xf32>
    %dot_general3A_45 = tpu.matmul %max3A_43, %get3A_4, %dot_general3A_44 {dimension_numbers = #tpu.dot_dimension_numbers<[1], [0], [0], [1], [0, 0, 1, 1], [], []>, transpose_lhs_hint = false} : vector<2048x32xf32>, vector<32x32xf32>, vector<2048x32xf32> -> vector<2048x32xf32>
    %max3A_46 = arith.maximumf %max3A_34, %dot_general3A_45 : vector<2048x32xf32>
    %get3A_47 = arith.constant 0 : index
    %get3A_48 = arith.constant 3 : index
    %get3A_49 = arith.constant 0 : index
    %get3A_50 = vector.load %arg1[%get3A_47, %get3A_48, %get3A_49] : memref<2048x5x32xf32, #tpu.memory_space<vmem>>, vector<2048x1x32xf32>
    %get3A_51 = vector.shape_cast %get3A_50 : vector<2048x1x32xf32> to vector<2048x32xf32>
    %sub3A_52 = arith.subf %get3A_51, %get3A_1 : vector<2048x32xf32>
    %max3A_53 = arith.constant 0.000000e+00 : f32
    %max3A_54 = vector.broadcast %max3A_53 : f32 to vector<2048x32xf32>
    %max3A_55 = arith.maximumf %sub3A_52, %max3A_54 : vector<2048x32xf32>
    %dot_general3A_56 = arith.constant dense<0.000000e+00> : vector<2048x32xf32>
    %dot_general3A_57 = tpu.matmul %max3A_55, %get3A_4, %dot_general3A_56 {dimension_numbers = #tpu.dot_dimension_numbers<[1], [0], [0], [1], [0, 0, 1, 1], [], []>, transpose_lhs_hint = false} : vector<2048x32xf32>, vector<32x32xf32>, vector<2048x32xf32> -> vector<2048x32xf32>
    %max3A_58 = arith.maximumf %max3A_46, %dot_general3A_57 : vector<2048x32xf32>
    %get3A_59 = arith.constant 0 : index
    %get3A_60 = arith.constant 4 : index
    %get3A_61 = arith.constant 0 : index
    %get3A_62 = vector.load %arg1[%get3A_59, %get3A_60, %get3A_61] : memref<2048x5x32xf32, #tpu.memory_space<vmem>>, vector<2048x1x32xf32>
    %get3A_63 = vector.shape_cast %get3A_62 : vector<2048x1x32xf32> to vector<2048x32xf32>
    %sub3A_64 = arith.subf %get3A_63, %get3A_1 : vector<2048x32xf32>
    %max3A_65 = arith.constant 0.000000e+00 : f32
    %max3A_66 = vector.broadcast %max3A_65 : f32 to vector<2048x32xf32>
    %max3A_67 = arith.maximumf %sub3A_64, %max3A_66 : vector<2048x32xf32>
    %dot_general3A_68 = arith.constant dense<0.000000e+00> : vector<2048x32xf32>
    %dot_general3A_69 = tpu.matmul %max3A_67, %get3A_4, %dot_general3A_68 {dimension_numbers = #tpu.dot_dimension_numbers<[1], [0], [0], [1], [0, 0, 1, 1], [], []>, transpose_lhs_hint = false} : vector<2048x32xf32>, vector<32x32xf32>, vector<2048x32xf32> -> vector<2048x32xf32>
    %max3A_70 = arith.maximumf %max3A_58, %dot_general3A_69 : vector<2048x32xf32>
    %get3A_71 = arith.constant 0 : index
    %get3A_72 = arith.constant 0 : index
    %get3A_73 = vector.load %arg6[%get3A_71, %get3A_72] : memref<1x32xf32, #tpu.memory_space<vmem>>, vector<1x32xf32>
    %add3A = vector.broadcast %get3A_73 : vector<1x32xf32> to vector<2048x32xf32>
    %add3A_74 = arith.addf %max3A_70, %add3A : vector<2048x32xf32>
    %max3A_75 = arith.constant 0.000000e+00 : f32
    %max3A_76 = vector.broadcast %max3A_75 : f32 to vector<2048x32xf32>
    %max3A_77 = arith.maximumf %add3A_74, %max3A_76 : vector<2048x32xf32>
    %swap3A = arith.constant 0 : index
    %swap3A_78 = arith.constant 0 : index
    %swap3A_79 = vector.load %arg10[%swap3A, %swap3A_78] : memref<2048x32xf32, #tpu.memory_space<vmem>>, vector<2048x32xf32>
    tpu.vector_store %arg10[%swap3A, %swap3A_78], %max3A_77 {strides = array<i32>} : memref<2048x32xf32, #tpu.memory_space<vmem>>, vector<2048x32xf32>,
    %get3A_80 = arith.constant 0 : index
    %get3A_81 = arith.constant 0 : index
    %get3A_82 = vector.load %arg4[%get3A_80, %get3A_81] : memref<2048x3xf32, #tpu.memory_space<vmem>>, vector<2048x3xf32>
    %get3A_83 = arith.constant 0 : index
    %get3A_84 = arith.constant 0 : index
    %get3A_85 = vector.load %arg8[%get3A_83, %get3A_84] : memref<3x64xf32, #tpu.memory_space<vmem>>, vector<3x64xf32>
    %dot_general3A_86 = arith.constant dense<0.000000e+00> : vector<2048x64xf32>
    %dot_general3A_87 = tpu.matmul %get3A_82, %get3A_85, %dot_general3A_86 {dimension_numbers = #tpu.dot_dimension_numbers<[1], [0], [0], [1], [0, 0, 1, 1], [], []>, transpose_lhs_hint = false} : vector<2048x3xf32>, vector<3x64xf32>, vector<2048x64xf32> -> vector<2048x64xf32>
    %get3A_88 = arith.constant 0 : index
    %get3A_89 = arith.constant 0 : index
    %get3A_90 = vector.load %arg7[%get3A_88, %get3A_89] : memref<32x64xf32, #tpu.memory_space<vmem>>, vector<32x64xf32>
    %dot_general3A_91 = arith.constant dense<0.000000e+00> : vector<2048x64xf32>
    %dot_general3A_92 = tpu.matmul %max3A_77, %get3A_90, %dot_general3A_91 {dimension_numbers = #tpu.dot_dimension_numbers<[1], [0], [0], [1], [0, 0, 1, 1], [], []>, transpose_lhs_hint = false} : vector<2048x32xf32>, vector<32x64xf32>, vector<2048x64xf32> -> vector<2048x64xf32>
    %add3A_93 = arith.addf %dot_general3A_92, %dot_general3A_87 : vector<2048x64xf32>
    %get3A_94 = arith.constant 0 : index
    %get3A_95 = arith.constant 0 : index
    %get3A_96 = vector.load %arg9[%get3A_94, %get3A_95] : memref<1x64xf32, #tpu.memory_space<vmem>>, vector<1x64xf32>
    %add3A_97 = vector.broadcast %get3A_96 : vector<1x64xf32> to vector<2048x64xf32>
    %add3A_98 = arith.addf %add3A_93, %add3A_97 : vector<2048x64xf32>
    %swap3A_99 = arith.constant 0 : index
    %swap3A_100 = arith.constant 0 : index
    %swap3A_101 = vector.load %arg11[%swap3A_99, %swap3A_100] : memref<2048x64xf32, #tpu.memory_space<vmem>>, vector<2048x64xf32>
    tpu.vector_store %arg11[%swap3A_99, %swap3A_100], %add3A_98 {strides = array<i32>} : memref<2048x64xf32, #tpu.memory_space<vmem>>, vector<2048x64xf32>,
    %swap3A_102 = arith.constant 0 : index
    %swap3A_103 = arith.constant 0 : index
    %swap3A_104 = vector.load %arg12[%swap3A_102, %swap3A_103] : memref<2048x64xf32, #tpu.memory_space<vmem>>, vector<2048x64xf32>
    tpu.vector_store %arg12[%swap3A_102, %swap3A_103], %dot_general3A_87 {strides = array<i32>} : memref<2048x64xf32, #tpu.memory_space<vmem>>, vector<2048x64xf32>,
    return
  }
  func.func @transform_0(%arg0: i32) -> (i32, i32, i32) {
    %c0_i32 = arith.constant 0 : i32
    %c0_i32_0 = arith.constant 0 : i32
    %c0_i32_1 = arith.constant 0 : i32
    return %arg0, %c0_i32, %c0_i32_0 : i32, i32, i32
  }
  func.func @transform_1(%arg0: i32) -> (i32, i32) {
    %c0_i32 = arith.constant 0 : i32
    %c0_i32_0 = arith.constant 0 : i32
    return %arg0, %c0_i32 : i32, i32
  }
  func.func @transform_2(%arg0: i32) -> (i32, i32) {
    %c0_i32 = arith.constant 0 : i32
    %c0_i32_0 = arith.constant 0 : i32
    return %arg0, %c0_i32 : i32, i32
  }
  func.func @transform_3(%arg0: i32) -> (i32, i32) {
    %c0_i32 = arith.constant 0 : i32
    %c0_i32_0 = arith.constant 0 : i32
    return %arg0, %c0_i32 : i32, i32
  }
  func.func @transform_4(%arg0: i32) -> (i32, i32) {
    %c0_i32 = arith.constant 0 : i32
    %c0_i32_0 = arith.constant 0 : i32
    %c0_i32_1 = arith.constant 0 : i32
    return %c0_i32, %c0_i32_0 : i32, i32
  }
  func.func @transform_5(%arg0: i32) -> (i32, i32) {
    %c0_i32 = arith.constant 0 : i32
    %c0_i32_0 = arith.constant 0 : i32
    %c0_i32_1 = arith.constant 0 : i32
    return %c0_i32, %c0_i32_0 : i32, i32
  }
  func.func @transform_6(%arg0: i32) -> (i32, i32) {
    %c0_i32 = arith.constant 0 : i32
    %c0_i32_0 = arith.constant 0 : i32
    %c0_i32_1 = arith.constant 0 : i32
    return %c0_i32, %c0_i32_0 : i32, i32
  }
  func.func @transform_7(%arg0: i32) -> (i32, i32) {
    %c0_i32 = arith.constant 0 : i32
    %c0_i32_0 = arith.constant 0 : i32
    %c0_i32_1 = arith.constant 0 : i32
    return %c0_i32, %c0_i32_0 : i32, i32
  }
  func.func @transform_8(%arg0: i32) -> (i32, i32) {
    %c0_i32 = arith.constant 0 : i32
    %c0_i32_0 = arith.constant 0 : i32
    %c0_i32_1 = arith.constant 0 : i32
    return %c0_i32, %c0_i32_0 : i32, i32
  }
  func.func @transform_9(%arg0: i32) -> (i32, i32) {
    %c0_i32 = arith.constant 0 : i32
    %c0_i32_0 = arith.constant 0 : i32
    return %arg0, %c0_i32 : i32, i32
  }
  func.func @transform_10(%arg0: i32) -> (i32, i32) {
    %c0_i32 = arith.constant 0 : i32
    %c0_i32_0 = arith.constant 0 : i32
    return %arg0, %c0_i32 : i32, i32
  }
  func.func @transform_11(%arg0: i32) -> (i32, i32) {
    %c0_i32 = arith.constant 0 : i32
    %c0_i32_0 = arith.constant 0 : i32
    return %arg0, %c0_i32 : i32, i32
  }
}

module attributes {stable_mosaic.version = 14 : i64} {
  func.func @_conv_mid_kernel(%arg0: i32, %arg1: memref<2048x5x64xf32, #tpu.memory_space<vmem>>, %arg2: memref<2048x64xf32, #tpu.memory_space<vmem>>, %arg3: memref<2048x64xf32, #tpu.memory_space<vmem>>, %arg4: memref<2048x3xf32, #tpu.memory_space<vmem>>, %arg5: memref<64x64xf32, #tpu.memory_space<vmem>>, %arg6: memref<1x64xf32, #tpu.memory_space<vmem>>, %arg7: memref<64x128xf32, #tpu.memory_space<vmem>>, %arg8: memref<3x128xf32, #tpu.memory_space<vmem>>, %arg9: memref<1x128xf32, #tpu.memory_space<vmem>>, %arg10: memref<2048x64xf32, #tpu.memory_space<vmem>>, %arg11: memref<2048x128xf32, #tpu.memory_space<vmem>>, %arg12: memref<2048x128xf32, #tpu.memory_space<vmem>>) attributes {dimension_semantics = [#tpu.dimension_semantics<arbitrary>], iteration_bounds = array<i64: 5>, scalar_prefetch = 0 : i64, scratch_operands = 0 : i64, tpu.core_type = #tpu.core_type<tc>, window_params = [{transform_indices = @transform_0, window_bounds = array<i64: 2048, 5, 64>}, {transform_indices = @transform_1, window_bounds = array<i64: 2048, 64>}, {transform_indices = @transform_2, window_bounds = array<i64: 2048, 64>}, {transform_indices = @transform_3, window_bounds = array<i64: 2048, 3>}, {pipeline_mode = #tpu.pipeline_mode<synchronous>, transform_indices = @transform_4, window_bounds = array<i64: 64, 64>}, {pipeline_mode = #tpu.pipeline_mode<synchronous>, transform_indices = @transform_5, window_bounds = array<i64: 1, 64>}, {pipeline_mode = #tpu.pipeline_mode<synchronous>, transform_indices = @transform_6, window_bounds = array<i64: 64, 128>}, {pipeline_mode = #tpu.pipeline_mode<synchronous>, transform_indices = @transform_7, window_bounds = array<i64: 3, 128>}, {pipeline_mode = #tpu.pipeline_mode<synchronous>, transform_indices = @transform_8, window_bounds = array<i64: 1, 128>}, {transform_indices = @transform_9, window_bounds = array<i64: 2048, 64>}, {transform_indices = @transform_10, window_bounds = array<i64: 2048, 128>}, {transform_indices = @transform_11, window_bounds = array<i64: 2048, 128>}]} {
    %get3A = arith.constant 0 : index
    %get3A_0 = arith.constant 0 : index
    %get3A_1 = vector.load %arg3[%get3A, %get3A_0] : memref<2048x64xf32, #tpu.memory_space<vmem>>, vector<2048x64xf32>
    %get3A_2 = arith.constant 0 : index
    %get3A_3 = arith.constant 0 : index
    %get3A_4 = vector.load %arg5[%get3A_2, %get3A_3] : memref<64x64xf32, #tpu.memory_space<vmem>>, vector<64x64xf32>
    %get3A_5 = arith.constant 0 : index
    %get3A_6 = arith.constant 0 : index
    %get3A_7 = vector.load %arg2[%get3A_5, %get3A_6] : memref<2048x64xf32, #tpu.memory_space<vmem>>, vector<2048x64xf32>
    %sub3A = arith.subf %get3A_7, %get3A_1 : vector<2048x64xf32>
    %max3A = arith.constant 0.000000e+00 : f32
    %max3A_8 = vector.broadcast %max3A : f32 to vector<2048x64xf32>
    %max3A_9 = arith.maximumf %sub3A, %max3A_8 : vector<2048x64xf32>
    %dot_general3A = arith.constant dense<0.000000e+00> : vector<2048x64xf32>
    %dot_general3A_10 = tpu.matmul %max3A_9, %get3A_4, %dot_general3A {dimension_numbers = #tpu.dot_dimension_numbers<[1], [0], [0], [1], [0, 0, 1, 1], [], []>, transpose_lhs_hint = false} : vector<2048x64xf32>, vector<64x64xf32>, vector<2048x64xf32> -> vector<2048x64xf32>
    %get3A_11 = arith.constant 0 : index
    %get3A_12 = arith.constant 0 : index
    %get3A_13 = arith.constant 0 : index
    %get3A_14 = vector.load %arg1[%get3A_11, %get3A_12, %get3A_13] : memref<2048x5x64xf32, #tpu.memory_space<vmem>>, vector<2048x1x64xf32>
    %get3A_15 = vector.shape_cast %get3A_14 : vector<2048x1x64xf32> to vector<2048x64xf32>
    %sub3A_16 = arith.subf %get3A_15, %get3A_1 : vector<2048x64xf32>
    %max3A_17 = arith.constant 0.000000e+00 : f32
    %max3A_18 = vector.broadcast %max3A_17 : f32 to vector<2048x64xf32>
    %max3A_19 = arith.maximumf %sub3A_16, %max3A_18 : vector<2048x64xf32>
    %dot_general3A_20 = arith.constant dense<0.000000e+00> : vector<2048x64xf32>
    %dot_general3A_21 = tpu.matmul %max3A_19, %get3A_4, %dot_general3A_20 {dimension_numbers = #tpu.dot_dimension_numbers<[1], [0], [0], [1], [0, 0, 1, 1], [], []>, transpose_lhs_hint = false} : vector<2048x64xf32>, vector<64x64xf32>, vector<2048x64xf32> -> vector<2048x64xf32>
    %max3A_22 = arith.maximumf %dot_general3A_10, %dot_general3A_21 : vector<2048x64xf32>
    %get3A_23 = arith.constant 0 : index
    %get3A_24 = arith.constant 1 : index
    %get3A_25 = arith.constant 0 : index
    %get3A_26 = vector.load %arg1[%get3A_23, %get3A_24, %get3A_25] : memref<2048x5x64xf32, #tpu.memory_space<vmem>>, vector<2048x1x64xf32>
    %get3A_27 = vector.shape_cast %get3A_26 : vector<2048x1x64xf32> to vector<2048x64xf32>
    %sub3A_28 = arith.subf %get3A_27, %get3A_1 : vector<2048x64xf32>
    %max3A_29 = arith.constant 0.000000e+00 : f32
    %max3A_30 = vector.broadcast %max3A_29 : f32 to vector<2048x64xf32>
    %max3A_31 = arith.maximumf %sub3A_28, %max3A_30 : vector<2048x64xf32>
    %dot_general3A_32 = arith.constant dense<0.000000e+00> : vector<2048x64xf32>
    %dot_general3A_33 = tpu.matmul %max3A_31, %get3A_4, %dot_general3A_32 {dimension_numbers = #tpu.dot_dimension_numbers<[1], [0], [0], [1], [0, 0, 1, 1], [], []>, transpose_lhs_hint = false} : vector<2048x64xf32>, vector<64x64xf32>, vector<2048x64xf32> -> vector<2048x64xf32>
    %max3A_34 = arith.maximumf %max3A_22, %dot_general3A_33 : vector<2048x64xf32>
    %get3A_35 = arith.constant 0 : index
    %get3A_36 = arith.constant 2 : index
    %get3A_37 = arith.constant 0 : index
    %get3A_38 = vector.load %arg1[%get3A_35, %get3A_36, %get3A_37] : memref<2048x5x64xf32, #tpu.memory_space<vmem>>, vector<2048x1x64xf32>
    %get3A_39 = vector.shape_cast %get3A_38 : vector<2048x1x64xf32> to vector<2048x64xf32>
    %sub3A_40 = arith.subf %get3A_39, %get3A_1 : vector<2048x64xf32>
    %max3A_41 = arith.constant 0.000000e+00 : f32
    %max3A_42 = vector.broadcast %max3A_41 : f32 to vector<2048x64xf32>
    %max3A_43 = arith.maximumf %sub3A_40, %max3A_42 : vector<2048x64xf32>
    %dot_general3A_44 = arith.constant dense<0.000000e+00> : vector<2048x64xf32>
    %dot_general3A_45 = tpu.matmul %max3A_43, %get3A_4, %dot_general3A_44 {dimension_numbers = #tpu.dot_dimension_numbers<[1], [0], [0], [1], [0, 0, 1, 1], [], []>, transpose_lhs_hint = false} : vector<2048x64xf32>, vector<64x64xf32>, vector<2048x64xf32> -> vector<2048x64xf32>
    %max3A_46 = arith.maximumf %max3A_34, %dot_general3A_45 : vector<2048x64xf32>
    %get3A_47 = arith.constant 0 : index
    %get3A_48 = arith.constant 3 : index
    %get3A_49 = arith.constant 0 : index
    %get3A_50 = vector.load %arg1[%get3A_47, %get3A_48, %get3A_49] : memref<2048x5x64xf32, #tpu.memory_space<vmem>>, vector<2048x1x64xf32>
    %get3A_51 = vector.shape_cast %get3A_50 : vector<2048x1x64xf32> to vector<2048x64xf32>
    %sub3A_52 = arith.subf %get3A_51, %get3A_1 : vector<2048x64xf32>
    %max3A_53 = arith.constant 0.000000e+00 : f32
    %max3A_54 = vector.broadcast %max3A_53 : f32 to vector<2048x64xf32>
    %max3A_55 = arith.maximumf %sub3A_52, %max3A_54 : vector<2048x64xf32>
    %dot_general3A_56 = arith.constant dense<0.000000e+00> : vector<2048x64xf32>
    %dot_general3A_57 = tpu.matmul %max3A_55, %get3A_4, %dot_general3A_56 {dimension_numbers = #tpu.dot_dimension_numbers<[1], [0], [0], [1], [0, 0, 1, 1], [], []>, transpose_lhs_hint = false} : vector<2048x64xf32>, vector<64x64xf32>, vector<2048x64xf32> -> vector<2048x64xf32>
    %max3A_58 = arith.maximumf %max3A_46, %dot_general3A_57 : vector<2048x64xf32>
    %get3A_59 = arith.constant 0 : index
    %get3A_60 = arith.constant 4 : index
    %get3A_61 = arith.constant 0 : index
    %get3A_62 = vector.load %arg1[%get3A_59, %get3A_60, %get3A_61] : memref<2048x5x64xf32, #tpu.memory_space<vmem>>, vector<2048x1x64xf32>
    %get3A_63 = vector.shape_cast %get3A_62 : vector<2048x1x64xf32> to vector<2048x64xf32>
    %sub3A_64 = arith.subf %get3A_63, %get3A_1 : vector<2048x64xf32>
    %max3A_65 = arith.constant 0.000000e+00 : f32
    %max3A_66 = vector.broadcast %max3A_65 : f32 to vector<2048x64xf32>
    %max3A_67 = arith.maximumf %sub3A_64, %max3A_66 : vector<2048x64xf32>
    %dot_general3A_68 = arith.constant dense<0.000000e+00> : vector<2048x64xf32>
    %dot_general3A_69 = tpu.matmul %max3A_67, %get3A_4, %dot_general3A_68 {dimension_numbers = #tpu.dot_dimension_numbers<[1], [0], [0], [1], [0, 0, 1, 1], [], []>, transpose_lhs_hint = false} : vector<2048x64xf32>, vector<64x64xf32>, vector<2048x64xf32> -> vector<2048x64xf32>
    %max3A_70 = arith.maximumf %max3A_58, %dot_general3A_69 : vector<2048x64xf32>
    %get3A_71 = arith.constant 0 : index
    %get3A_72 = arith.constant 0 : index
    %get3A_73 = vector.load %arg6[%get3A_71, %get3A_72] : memref<1x64xf32, #tpu.memory_space<vmem>>, vector<1x64xf32>
    %add3A = vector.broadcast %get3A_73 : vector<1x64xf32> to vector<2048x64xf32>
    %add3A_74 = arith.addf %max3A_70, %add3A : vector<2048x64xf32>
    %max3A_75 = arith.constant 0.000000e+00 : f32
    %max3A_76 = vector.broadcast %max3A_75 : f32 to vector<2048x64xf32>
    %max3A_77 = arith.maximumf %add3A_74, %max3A_76 : vector<2048x64xf32>
    %swap3A = arith.constant 0 : index
    %swap3A_78 = arith.constant 0 : index
    %swap3A_79 = vector.load %arg10[%swap3A, %swap3A_78] : memref<2048x64xf32, #tpu.memory_space<vmem>>, vector<2048x64xf32>
    tpu.vector_store %arg10[%swap3A, %swap3A_78], %max3A_77 {strides = array<i32>} : memref<2048x64xf32, #tpu.memory_space<vmem>>, vector<2048x64xf32>,
    %get3A_80 = arith.constant 0 : index
    %get3A_81 = arith.constant 0 : index
    %get3A_82 = vector.load %arg4[%get3A_80, %get3A_81] : memref<2048x3xf32, #tpu.memory_space<vmem>>, vector<2048x3xf32>
    %get3A_83 = arith.constant 0 : index
    %get3A_84 = arith.constant 0 : index
    %get3A_85 = vector.load %arg8[%get3A_83, %get3A_84] : memref<3x128xf32, #tpu.memory_space<vmem>>, vector<3x128xf32>
    %dot_general3A_86 = arith.constant dense<0.000000e+00> : vector<2048x128xf32>
    %dot_general3A_87 = tpu.matmul %get3A_82, %get3A_85, %dot_general3A_86 {dimension_numbers = #tpu.dot_dimension_numbers<[1], [0], [0], [1], [0, 0, 1, 1], [], []>, transpose_lhs_hint = false} : vector<2048x3xf32>, vector<3x128xf32>, vector<2048x128xf32> -> vector<2048x128xf32>
    %get3A_88 = arith.constant 0 : index
    %get3A_89 = arith.constant 0 : index
    %get3A_90 = vector.load %arg7[%get3A_88, %get3A_89] : memref<64x128xf32, #tpu.memory_space<vmem>>, vector<64x128xf32>
    %dot_general3A_91 = arith.constant dense<0.000000e+00> : vector<2048x128xf32>
    %dot_general3A_92 = tpu.matmul %max3A_77, %get3A_90, %dot_general3A_91 {dimension_numbers = #tpu.dot_dimension_numbers<[1], [0], [0], [1], [0, 0, 1, 1], [], []>, transpose_lhs_hint = false} : vector<2048x64xf32>, vector<64x128xf32>, vector<2048x128xf32> -> vector<2048x128xf32>
    %add3A_93 = arith.addf %dot_general3A_92, %dot_general3A_87 : vector<2048x128xf32>
    %get3A_94 = arith.constant 0 : index
    %get3A_95 = arith.constant 0 : index
    %get3A_96 = vector.load %arg9[%get3A_94, %get3A_95] : memref<1x128xf32, #tpu.memory_space<vmem>>, vector<1x128xf32>
    %add3A_97 = vector.broadcast %get3A_96 : vector<1x128xf32> to vector<2048x128xf32>
    %add3A_98 = arith.addf %add3A_93, %add3A_97 : vector<2048x128xf32>
    %swap3A_99 = arith.constant 0 : index
    %swap3A_100 = arith.constant 0 : index
    %swap3A_101 = vector.load %arg11[%swap3A_99, %swap3A_100] : memref<2048x128xf32, #tpu.memory_space<vmem>>, vector<2048x128xf32>
    tpu.vector_store %arg11[%swap3A_99, %swap3A_100], %add3A_98 {strides = array<i32>} : memref<2048x128xf32, #tpu.memory_space<vmem>>, vector<2048x128xf32>,
    %swap3A_102 = arith.constant 0 : index
    %swap3A_103 = arith.constant 0 : index
    %swap3A_104 = vector.load %arg12[%swap3A_102, %swap3A_103] : memref<2048x128xf32, #tpu.memory_space<vmem>>, vector<2048x128xf32>
    tpu.vector_store %arg12[%swap3A_102, %swap3A_103], %dot_general3A_87 {strides = array<i32>} : memref<2048x128xf32, #tpu.memory_space<vmem>>, vector<2048x128xf32>,
    return
  }
  func.func @transform_0(%arg0: i32) -> (i32, i32, i32) {
    %c0_i32 = arith.constant 0 : i32
    %c0_i32_0 = arith.constant 0 : i32
    %c0_i32_1 = arith.constant 0 : i32
    return %arg0, %c0_i32, %c0_i32_0 : i32, i32, i32
  }
  func.func @transform_1(%arg0: i32) -> (i32, i32) {
    %c0_i32 = arith.constant 0 : i32
    %c0_i32_0 = arith.constant 0 : i32
    return %arg0, %c0_i32 : i32, i32
  }
  func.func @transform_2(%arg0: i32) -> (i32, i32) {
    %c0_i32 = arith.constant 0 : i32
    %c0_i32_0 = arith.constant 0 : i32
    return %arg0, %c0_i32 : i32, i32
  }
  func.func @transform_3(%arg0: i32) -> (i32, i32) {
    %c0_i32 = arith.constant 0 : i32
    %c0_i32_0 = arith.constant 0 : i32
    return %arg0, %c0_i32 : i32, i32
  }
  func.func @transform_4(%arg0: i32) -> (i32, i32) {
    %c0_i32 = arith.constant 0 : i32
    %c0_i32_0 = arith.constant 0 : i32
    %c0_i32_1 = arith.constant 0 : i32
    return %c0_i32, %c0_i32_0 : i32, i32
  }
  func.func @transform_5(%arg0: i32) -> (i32, i32) {
    %c0_i32 = arith.constant 0 : i32
    %c0_i32_0 = arith.constant 0 : i32
    %c0_i32_1 = arith.constant 0 : i32
    return %c0_i32, %c0_i32_0 : i32, i32
  }
  func.func @transform_6(%arg0: i32) -> (i32, i32) {
    %c0_i32 = arith.constant 0 : i32
    %c0_i32_0 = arith.constant 0 : i32
    %c0_i32_1 = arith.constant 0 : i32
    return %c0_i32, %c0_i32_0 : i32, i32
  }
  func.func @transform_7(%arg0: i32) -> (i32, i32) {
    %c0_i32 = arith.constant 0 : i32
    %c0_i32_0 = arith.constant 0 : i32
    %c0_i32_1 = arith.constant 0 : i32
    return %c0_i32, %c0_i32_0 : i32, i32
  }
  func.func @transform_8(%arg0: i32) -> (i32, i32) {
    %c0_i32 = arith.constant 0 : i32
    %c0_i32_0 = arith.constant 0 : i32
    %c0_i32_1 = arith.constant 0 : i32
    return %c0_i32, %c0_i32_0 : i32, i32
  }
  func.func @transform_9(%arg0: i32) -> (i32, i32) {
    %c0_i32 = arith.constant 0 : i32
    %c0_i32_0 = arith.constant 0 : i32
    return %arg0, %c0_i32 : i32, i32
  }
  func.func @transform_10(%arg0: i32) -> (i32, i32) {
    %c0_i32 = arith.constant 0 : i32
    %c0_i32_0 = arith.constant 0 : i32
    return %arg0, %c0_i32 : i32, i32
  }
  func.func @transform_11(%arg0: i32) -> (i32, i32) {
    %c0_i32 = arith.constant 0 : i32
    %c0_i32_0 = arith.constant 0 : i32
    return %arg0, %c0_i32 : i32, i32
  }
}

module attributes {stable_mosaic.version = 14 : i64} {
  func.func @_conv_last_kernel(%arg0: i32, %arg1: memref<2048x5x128xf32, #tpu.memory_space<vmem>>, %arg2: memref<2048x128xf32, #tpu.memory_space<vmem>>, %arg3: memref<2048x128xf32, #tpu.memory_space<vmem>>, %arg4: memref<128x128xf32, #tpu.memory_space<vmem>>, %arg5: memref<1x128xf32, #tpu.memory_space<vmem>>, %arg6: memref<2048x128xf32, #tpu.memory_space<vmem>>) attributes {dimension_semantics = [#tpu.dimension_semantics<arbitrary>], iteration_bounds = array<i64: 5>, scalar_prefetch = 0 : i64, scratch_operands = 0 : i64, tpu.core_type = #tpu.core_type<tc>, window_params = [{transform_indices = @transform_0, window_bounds = array<i64: 2048, 5, 128>}, {transform_indices = @transform_1, window_bounds = array<i64: 2048, 128>}, {transform_indices = @transform_2, window_bounds = array<i64: 2048, 128>}, {pipeline_mode = #tpu.pipeline_mode<synchronous>, transform_indices = @transform_3, window_bounds = array<i64: 128, 128>}, {pipeline_mode = #tpu.pipeline_mode<synchronous>, transform_indices = @transform_4, window_bounds = array<i64: 1, 128>}, {transform_indices = @transform_5, window_bounds = array<i64: 2048, 128>}]} {
    %get3A = arith.constant 0 : index
    %get3A_0 = arith.constant 0 : index
    %get3A_1 = vector.load %arg3[%get3A, %get3A_0] : memref<2048x128xf32, #tpu.memory_space<vmem>>, vector<2048x128xf32>
    %get3A_2 = arith.constant 0 : index
    %get3A_3 = arith.constant 0 : index
    %get3A_4 = vector.load %arg4[%get3A_2, %get3A_3] : memref<128x128xf32, #tpu.memory_space<vmem>>, vector<128x128xf32>
    %get3A_5 = arith.constant 0 : index
    %get3A_6 = arith.constant 0 : index
    %get3A_7 = vector.load %arg2[%get3A_5, %get3A_6] : memref<2048x128xf32, #tpu.memory_space<vmem>>, vector<2048x128xf32>
    %sub3A = arith.subf %get3A_7, %get3A_1 : vector<2048x128xf32>
    %max3A = arith.constant 0.000000e+00 : f32
    %max3A_8 = vector.broadcast %max3A : f32 to vector<2048x128xf32>
    %max3A_9 = arith.maximumf %sub3A, %max3A_8 : vector<2048x128xf32>
    %dot_general3A = arith.constant dense<0.000000e+00> : vector<2048x128xf32>
    %dot_general3A_10 = tpu.matmul %max3A_9, %get3A_4, %dot_general3A {dimension_numbers = #tpu.dot_dimension_numbers<[1], [0], [0], [1], [0, 0, 1, 1], [], []>, transpose_lhs_hint = false} : vector<2048x128xf32>, vector<128x128xf32>, vector<2048x128xf32> -> vector<2048x128xf32>
    %get3A_11 = arith.constant 0 : index
    %get3A_12 = arith.constant 0 : index
    %get3A_13 = arith.constant 0 : index
    %get3A_14 = vector.load %arg1[%get3A_11, %get3A_12, %get3A_13] : memref<2048x5x128xf32, #tpu.memory_space<vmem>>, vector<2048x1x128xf32>
    %get3A_15 = vector.shape_cast %get3A_14 : vector<2048x1x128xf32> to vector<2048x128xf32>
    %sub3A_16 = arith.subf %get3A_15, %get3A_1 : vector<2048x128xf32>
    %max3A_17 = arith.constant 0.000000e+00 : f32
    %max3A_18 = vector.broadcast %max3A_17 : f32 to vector<2048x128xf32>
    %max3A_19 = arith.maximumf %sub3A_16, %max3A_18 : vector<2048x128xf32>
    %dot_general3A_20 = arith.constant dense<0.000000e+00> : vector<2048x128xf32>
    %dot_general3A_21 = tpu.matmul %max3A_19, %get3A_4, %dot_general3A_20 {dimension_numbers = #tpu.dot_dimension_numbers<[1], [0], [0], [1], [0, 0, 1, 1], [], []>, transpose_lhs_hint = false} : vector<2048x128xf32>, vector<128x128xf32>, vector<2048x128xf32> -> vector<2048x128xf32>
    %max3A_22 = arith.maximumf %dot_general3A_10, %dot_general3A_21 : vector<2048x128xf32>
    %get3A_23 = arith.constant 0 : index
    %get3A_24 = arith.constant 1 : index
    %get3A_25 = arith.constant 0 : index
    %get3A_26 = vector.load %arg1[%get3A_23, %get3A_24, %get3A_25] : memref<2048x5x128xf32, #tpu.memory_space<vmem>>, vector<2048x1x128xf32>
    %get3A_27 = vector.shape_cast %get3A_26 : vector<2048x1x128xf32> to vector<2048x128xf32>
    %sub3A_28 = arith.subf %get3A_27, %get3A_1 : vector<2048x128xf32>
    %max3A_29 = arith.constant 0.000000e+00 : f32
    %max3A_30 = vector.broadcast %max3A_29 : f32 to vector<2048x128xf32>
    %max3A_31 = arith.maximumf %sub3A_28, %max3A_30 : vector<2048x128xf32>
    %dot_general3A_32 = arith.constant dense<0.000000e+00> : vector<2048x128xf32>
    %dot_general3A_33 = tpu.matmul %max3A_31, %get3A_4, %dot_general3A_32 {dimension_numbers = #tpu.dot_dimension_numbers<[1], [0], [0], [1], [0, 0, 1, 1], [], []>, transpose_lhs_hint = false} : vector<2048x128xf32>, vector<128x128xf32>, vector<2048x128xf32> -> vector<2048x128xf32>
    %max3A_34 = arith.maximumf %max3A_22, %dot_general3A_33 : vector<2048x128xf32>
    %get3A_35 = arith.constant 0 : index
    %get3A_36 = arith.constant 2 : index
    %get3A_37 = arith.constant 0 : index
    %get3A_38 = vector.load %arg1[%get3A_35, %get3A_36, %get3A_37] : memref<2048x5x128xf32, #tpu.memory_space<vmem>>, vector<2048x1x128xf32>
    %get3A_39 = vector.shape_cast %get3A_38 : vector<2048x1x128xf32> to vector<2048x128xf32>
    %sub3A_40 = arith.subf %get3A_39, %get3A_1 : vector<2048x128xf32>
    %max3A_41 = arith.constant 0.000000e+00 : f32
    %max3A_42 = vector.broadcast %max3A_41 : f32 to vector<2048x128xf32>
    %max3A_43 = arith.maximumf %sub3A_40, %max3A_42 : vector<2048x128xf32>
    %dot_general3A_44 = arith.constant dense<0.000000e+00> : vector<2048x128xf32>
    %dot_general3A_45 = tpu.matmul %max3A_43, %get3A_4, %dot_general3A_44 {dimension_numbers = #tpu.dot_dimension_numbers<[1], [0], [0], [1], [0, 0, 1, 1], [], []>, transpose_lhs_hint = false} : vector<2048x128xf32>, vector<128x128xf32>, vector<2048x128xf32> -> vector<2048x128xf32>
    %max3A_46 = arith.maximumf %max3A_34, %dot_general3A_45 : vector<2048x128xf32>
    %get3A_47 = arith.constant 0 : index
    %get3A_48 = arith.constant 3 : index
    %get3A_49 = arith.constant 0 : index
    %get3A_50 = vector.load %arg1[%get3A_47, %get3A_48, %get3A_49] : memref<2048x5x128xf32, #tpu.memory_space<vmem>>, vector<2048x1x128xf32>
    %get3A_51 = vector.shape_cast %get3A_50 : vector<2048x1x128xf32> to vector<2048x128xf32>
    %sub3A_52 = arith.subf %get3A_51, %get3A_1 : vector<2048x128xf32>
    %max3A_53 = arith.constant 0.000000e+00 : f32
    %max3A_54 = vector.broadcast %max3A_53 : f32 to vector<2048x128xf32>
    %max3A_55 = arith.maximumf %sub3A_52, %max3A_54 : vector<2048x128xf32>
    %dot_general3A_56 = arith.constant dense<0.000000e+00> : vector<2048x128xf32>
    %dot_general3A_57 = tpu.matmul %max3A_55, %get3A_4, %dot_general3A_56 {dimension_numbers = #tpu.dot_dimension_numbers<[1], [0], [0], [1], [0, 0, 1, 1], [], []>, transpose_lhs_hint = false} : vector<2048x128xf32>, vector<128x128xf32>, vector<2048x128xf32> -> vector<2048x128xf32>
    %max3A_58 = arith.maximumf %max3A_46, %dot_general3A_57 : vector<2048x128xf32>
    %get3A_59 = arith.constant 0 : index
    %get3A_60 = arith.constant 4 : index
    %get3A_61 = arith.constant 0 : index
    %get3A_62 = vector.load %arg1[%get3A_59, %get3A_60, %get3A_61] : memref<2048x5x128xf32, #tpu.memory_space<vmem>>, vector<2048x1x128xf32>
    %get3A_63 = vector.shape_cast %get3A_62 : vector<2048x1x128xf32> to vector<2048x128xf32>
    %sub3A_64 = arith.subf %get3A_63, %get3A_1 : vector<2048x128xf32>
    %max3A_65 = arith.constant 0.000000e+00 : f32
    %max3A_66 = vector.broadcast %max3A_65 : f32 to vector<2048x128xf32>
    %max3A_67 = arith.maximumf %sub3A_64, %max3A_66 : vector<2048x128xf32>
    %dot_general3A_68 = arith.constant dense<0.000000e+00> : vector<2048x128xf32>
    %dot_general3A_69 = tpu.matmul %max3A_67, %get3A_4, %dot_general3A_68 {dimension_numbers = #tpu.dot_dimension_numbers<[1], [0], [0], [1], [0, 0, 1, 1], [], []>, transpose_lhs_hint = false} : vector<2048x128xf32>, vector<128x128xf32>, vector<2048x128xf32> -> vector<2048x128xf32>
    %max3A_70 = arith.maximumf %max3A_58, %dot_general3A_69 : vector<2048x128xf32>
    %get3A_71 = arith.constant 0 : index
    %get3A_72 = arith.constant 0 : index
    %get3A_73 = vector.load %arg5[%get3A_71, %get3A_72] : memref<1x128xf32, #tpu.memory_space<vmem>>, vector<1x128xf32>
    %add3A = vector.broadcast %get3A_73 : vector<1x128xf32> to vector<2048x128xf32>
    %add3A_74 = arith.addf %max3A_70, %add3A : vector<2048x128xf32>
    %max3A_75 = arith.constant 0.000000e+00 : f32
    %max3A_76 = vector.broadcast %max3A_75 : f32 to vector<2048x128xf32>
    %max3A_77 = arith.maximumf %add3A_74, %max3A_76 : vector<2048x128xf32>
    %swap3A = arith.constant 0 : index
    %swap3A_78 = arith.constant 0 : index
    %swap3A_79 = vector.load %arg6[%swap3A, %swap3A_78] : memref<2048x128xf32, #tpu.memory_space<vmem>>, vector<2048x128xf32>
    tpu.vector_store %arg6[%swap3A, %swap3A_78], %max3A_77 {strides = array<i32>} : memref<2048x128xf32, #tpu.memory_space<vmem>>, vector<2048x128xf32>,
    return
  }
  func.func @transform_0(%arg0: i32) -> (i32, i32, i32) {
    %c0_i32 = arith.constant 0 : i32
    %c0_i32_0 = arith.constant 0 : i32
    %c0_i32_1 = arith.constant 0 : i32
    return %arg0, %c0_i32, %c0_i32_0 : i32, i32, i32
  }
  func.func @transform_1(%arg0: i32) -> (i32, i32) {
    %c0_i32 = arith.constant 0 : i32
    %c0_i32_0 = arith.constant 0 : i32
    return %arg0, %c0_i32 : i32, i32
  }
  func.func @transform_2(%arg0: i32) -> (i32, i32) {
    %c0_i32 = arith.constant 0 : i32
    %c0_i32_0 = arith.constant 0 : i32
    return %arg0, %c0_i32 : i32, i32
  }
  func.func @transform_3(%arg0: i32) -> (i32, i32) {
    %c0_i32 = arith.constant 0 : i32
    %c0_i32_0 = arith.constant 0 : i32
    %c0_i32_1 = arith.constant 0 : i32
    return %c0_i32, %c0_i32_0 : i32, i32
  }
  func.func @transform_4(%arg0: i32) -> (i32, i32) {
    %c0_i32 = arith.constant 0 : i32
    %c0_i32_0 = arith.constant 0 : i32
    %c0_i32_1 = arith.constant 0 : i32
    return %c0_i32, %c0_i32_0 : i32, i32
  }
  func.func @transform_5(%arg0: i32) -> (i32, i32) {
    %c0_i32 = arith.constant 0 : i32
    %c0_i32_0 = arith.constant 0 : i32
    return %arg0, %c0_i32 : i32, i32
  }
}

</mosaic_0001>

<sc_bundles>
// kernel: kernel.12.cloned.1.call-start
scs
__scs_entry_jumppad:
0x0: {  	(pc) =	sbr.rel $0x88, $3  }
0x1: {  	(tag) =	ssettag $0x0;
	lr =	simm.s32 $0x1  }
0x2: {  	[smem:$0x3F94] =	sst lr;
	_ =	strace $0xD0000000  }
0x3: {  	_ = 	snop  }
0x4: {  	_ = 	snop  }
0x5: {  	_ = 	snop  }
0x6: {  	_ = 	snop  }
0x7: {  	_ = 	snop  }
__scs_overlays_trampoline_lowered:
0x8: {  	[smem:$0x3FA3] =	sst s0  }
0x9: {  	[smem:$0x3FA4] =	sst s1  }
0xa: {  	[smem:$0x3FA5] =	sst s2  }
0xb: {  	[smem:$0x3FA6] =	sst s3  }
0xc: {  	[smem:$0x3FA7] =	sst s4  }
0xd: {  	[smem:$0x3FA8] =	sst s5  }
0xe: {  	[smem:$0x3FA9] =	sst s6  }
0xf: {  	[smem:$0x3FAA] =	sst s7  }
0x10: {  	[smem:$0x3FAB] =	sst s8  }
0x11: {  	[smem:$0x3FAC] =	sst s9;
	s0 =	simm.s32 @!p0 $0x0  }
0x12: {  	s1 =	sld [smem:$0x3F92];
	s0 =	simm.s32 @p0 $0x1  }
0x13: {  	[smem:$0x3FAD] =	sst s0;
	s0 =	simm.s32 @!p1 $0x0  }
0x14: {  	s2 =	sld [smem:$0x3F91];
	s0 =	simm.s32 @p1 $0x1  }
0x15: {  	[smem:$0x3FAE] =	sst s0;
	s0 =	simm.s32 @!p2 $0x0  }
0x16: {  	s3 =	sld [smem:$0x3FDB];
	s0 =	simm.s32 @p2 $0x1  }
0x17: {  	s4 =	simm.s32 $0x1BF5;
	[smem:$0x3FB0] =	sst s0  }
0x18: {  	s0 =	sld [smem:$0x3F93];
	_ =	swait.ge [sflag:s4], $0x0  }
0x19: {  	s7 =	sld [smem:$0x3F94]  }
0x1a: {  	s8 =	sadd.s32 $0xFFFFE003, lr  }
0x1b: {  	s9 =	sadd.s32 $0xFFFFFEF7, lr;
	s5 =	simm.s32 $0xFFFFFFFF;
	p2 =	slt.u32 s8, $0xFFFFF086  }
0x1c: {  	p1 =	slt.u32 s9, $0xF7A;
	s5 =	simm.s32 @!p2 $0x0  }
0x1d: {  	s5 =	simm.s32 @p1 $0x1;
	p0 =	seq.s32 s7, s2  }
0x1e: {  	s7 =	smul.u32 @!p0 $0xF7A, s2;
	p2 =	seq.s32 @!p0 s5, $0x0  }
0x1f: {  	s9 =	smul.u32 $0xF7A, s1;
	s8 =	simm.s32 @!p0 $0x1BF5;
	p2 =	por !p2, p0  }
0x20: {  	[sflag:s8] =	ssyncset.s32 @!p0 $0xFFFFF086;
	s6 =	sadd.s32 @!p0 s3, s7;
	s7 =	simm.s32 @!p0 $0x108  }
0x21: {  	s3 =	sadd.s32 s3, s9;
	s6 =	sadd.s32 @!p0 $0x88, s6;
	s7 =	simm.s32 @p2 $0x1082  }
0x22: {  	[simem:s7], [sflag:s8] =	dma.local @!p0 [hbm:s6], $0xF7A  }
0x23: {  	s9 =	sor.u32 $0xD0000000, s2;
	s6 =	simm.s32 $0x108;
	_ =	swait.ge @!p0 [sflag:s8], $0x0  }
0x24: {  	s3 =	sadd.s32 $0x88, s3;
	s6 =	simm.s32 @!p1 $0x1082;
	[sflag:s4] =	ssyncset.s32 $0xFFFFF086  }
0x25: {  	[simem:s6], [sflag:s4] =	dma.local [hbm:s3], $0xF7A  }
0x26: {  	[smem:$0x3F94] =	sst s1;
	(tag) =	ssettag s2;
	_ =	strace s9  }
0x27: {  	s1 =	sld [smem:$0x3FA4]  }
0x28: {  	s2 =	sld [smem:$0x3FA5]  }
0x29: {  	s4 =	sld [smem:$0x3FA7]  }
0x2a: {  	p0 =	seq.s32 s5, $0x0;
	s5 =	sld [smem:$0x3FA8]  }
0x2b: {  	s6 =	sld [smem:$0x3FA9]  }
0x2c: {  	s7 =	sld [smem:$0x3FAA]  }
0x2d: {  	s3 =	simm.s32 $0x108;
	s8 =	sld [smem:$0x3FAB]  }
0x2e: {  	s3 =	simm.s32 @!p0 $0x1082;
	s9 =	sld [smem:$0x3FAC]  }
0x2f: {  	lr =	sadd.s32 s0, s3;
	s0 =	sld [smem:$0x3FA3]  }
0x30: {  	s3 =	sld [smem:$0x3FA6]  }
0x31: {  	[smem:$0x3FAF] =	sst s10  }
0x32: {  	s10 =	sld [smem:$0x3FAD];
	_ =	sdelay $0x3  }
0x33: {  	p0 =	seq.s32 s10, $0x1;
	s10 =	sld [smem:$0x3FAF];
	_ =	sdelay $0x3  }
0x34: {  	[smem:$0x3FAF] =	sst s10  }
0x35: {  	s10 =	sld [smem:$0x3FAE];
	_ =	sdelay $0x3  }
0x36: {  	p1 =	seq.s32 s10, $0x1;
	s10 =	sld [smem:$0x3FAF];
	_ =	sdelay $0x3  }
0x37: {  	[smem:$0x3FAF] =	sst s10  }
0x38: {  	s10 =	sld [smem:$0x3FB0]  }
0x39: {  	_ = 	snop;
	(pc) =	sbr.ind lr, $3  }
0x3a: {  	_ = 	snop  }
0x3b: {  	_ = 	snop  }
0x3c: {  	p2 =	seq.s32 s10, $0x1;
	s10 =	sld [smem:$0x3FAF]  }
0x3d: {  	_ =	shalt  }
0x3e: {  	_ =	shalt  }
0x3f: {  	_ =	shalt  }
0x40: {  	_ =	shalt  }
0x41: {  	_ =	shalt  }
0x42: {  	_ =	shalt  }
0x43: {  	_ =	shalt  }
0x44: {  	_ =	shalt  }
0x45: {  	_ =	shalt  }
0x46: {  	_ =	shalt  }
0x47: {  	_ =	shalt  }
0x48: {  	_ =	shalt  }
0x49: {  	_ =	shalt  }
0x4a: {  	_ =	shalt  }
0x4b: {  	_ =	shalt  }
0x4c: {  	_ =	shalt  }
0x4d: {  	_ =	shalt  }
0x4e: {  	_ =	shalt  }
0x4f: {  	_ =	shalt  }
0x50: {  	_ =	shalt  }
0x51: {  	_ =	shalt  }
0x52: {  	_ =	shalt  }
0x53: {  	_ =	shalt  }
0x54: {  	_ =	shalt  }
0x55: {  	_ =	shalt  }
0x56: {  	_ =	shalt  }
0x57: {  	_ =	shalt  }
0x58: {  	_ =	shalt  }
0x59: {  	_ =	shalt  }
0x5a: {  	_ =	shalt  }
0x5b: {  	_ =	shalt  }
0x5c: {  	_ =	shalt  }
0x5d: {  	_ =	shalt  }
0x5e: {  	_ =	shalt  }
0x5f: {  	_ =	shalt  }
0x60: {  	_ =	shalt  }
0x61: {  	_ =	shalt  }
0x62: {  	_ =	shalt  }
0x63: {  	_ =	shalt  }
0x64: {  	_ =	shalt  }
0x65: {  	_ =	shalt  }
0x66: {  	_ =	shalt  }
0x67: {  	_ =	shalt  }
0x68: {  	_ =	shalt  }
0x69: {  	_ =	shalt  }
0x6a: {  	_ =	shalt  }
0x6b: {  	_ =	shalt  }
0x6c: {  	_ =	shalt  }
0x6d: {  	_ =	shalt  }
0x6e: {  	_ =	shalt  }
0x6f: {  	_ =	shalt  }
0x70: {  	_ =	shalt  }
0x71: {  	_ =	shalt  }
0x72: {  	_ =	shalt  }
0x73: {  	_ =	shalt  }
0x74: {  	_ =	shalt  }
0x75: {  	_ =	shalt  }
0x76: {  	_ =	shalt  }
0x77: {  	_ =	shalt  }
0x78: {  	_ =	shalt  }
0x79: {  	_ =	shalt  }
0x7a: {  	_ =	shalt  }
0x7b: {  	_ =	shalt  }
0x7c: {  	_ =	shalt  }
0x7d: {  	_ =	shalt  }
0x7e: {  	_ =	shalt  }
0x7f: {  	_ =	shalt  }
0x80: {  	_ =	shalt  }
0x81: {  	_ =	shalt  }
0x82: {  	_ =	shalt  }
0x83: {  	_ =	shalt  }
0x84: {  	_ =	shalt  }
0x85: {  	_ =	shalt  }
0x86: {  	_ =	shalt  }
0x87: {  	_ =	shalt  }
.Lfunc_end0:
.L_simem_size_0:
called_computation.1_lowered:
.L_overlay_start_0:
0x88: {  	s2 =	sld [smem:$0x3FD9]  }
0x89: {  	s3 =	sld [smem:$0x3FFE];
	_ =	sdelay $0x1  }
0x8a: {  	s1 =	srdreg.scid  }
0x8b: {  	s0 =	sand.u32 $0x1, s1  }
0x8c: {  	s17 =	sshll.u32 s0, $0xA;
	s2 =	sadd.s32 s3, s2  }
0x8d: {  	s2 =	sadd.s32 s2, s17  }
0x8e: {  	[smem:$0x3FBB] =	sst s2  }
0x8f: {  	_ = 	snop  }
0x90: {  	s2 =	sld [smem:$0x3FD0];
	(tm) =	ssettm $0x1  }
0x91: {  	s18 =	sld [smem:$0x3FFB];
	_ =	sdelay $0x3  }
0x92: {  	_ =	strace s18  }
0x93: {  	s3 =	sld [smem:$0x3FFC];
	_ =	sdelay $0x3  }
0x94: {  	_ =	strace s3  }
0x95: {  	s3 =	sld [smem:$0x3FFD];
	_ =	sdelay $0x3  }
0x96: {  	_ =	strace s3  }
0x97: {  	_ =	strace $0x8FFFFFFF  }
0x98: {  	s19 =	sld [smem:$0x3FDB];
	_ =	sdelay $0x1  }
0x99: {  	s4 =	simm.s32 $_scs_section_size  }
0x9a: {  	s5 =	simm.s32 $_size__tile_overlayer_lowered;
	s6 =	simm.s32 $_tile_overlayer_lowered  }
0x9b: {  	s22 =	simm.s32 $0x1BFF;
	s21 =	sshll.u32 s6, $0x1;
	s3 =	sadd.s32 s4, s19  }
0x9c: {  	s7 =	simm.s32 $0x0;
	s20 =	sshll.u32 s5, $0x1;
	s5 =	sadd.s32 s21, s3  }
0x9d: {  	[timem:s7], [sflag:s22] =	dma.local [hbm:s5], s20  }
0x9e: {  	_ =	swait.ge [sflag:s22], s20  }
0x9f: {  	s4 =	ssub.s32 $0x0, s20;
	[sflag:s22] =	ssyncset.done $0x0  }
0xa0: {  	[sflag:s22] =	ssyncadd.s32 s4;
	_ =	sdelay $0x1  }
0xa1: {  	s23 =	simm.s32 $0x1B8B  }
0xa2: {  	_ =	swait.ge [sflag:s23], $0x1  }
0xa3: {  	[sflag:s23] =	ssyncset.done $0x0  }
0xa4: {  	s25 =	simm.s32 $0x1B8E;
	s24 =	sld [smem:$0x3FFE];
	[sflag:s23] =	ssyncadd.s32 $0xFFFFFFFF  }
0xa5: {  	s26 =	simm.s32 $execute0_lowered;
	[smem:$0x3FD2] =	sst s25  }
0xa6: {  	s5 =	sshll.u32 s26, $0x1;
	_ =	strace $0x80000049;
	[dreg:$0x1] =	wrdreg $0xFFFFFFFF  }
0xa7: {  	s28 =	simm.s32 $_size_execute0_lowered;
	s3 =	sadd.s32 s3, s5;
	[dreg:$0x0] =	wrdreg $0x0  }
0xa8: {  	s5 =	sshll.u32 s28, $0x1;
	[dreg:$0x2] =	wrdreg s3  }
0xa9: {  	[dreg:$0x3] =	wrdreg s5  }
0xaa: {  	[dreg:$0x4] =	wrdreg $0xC0  }
0xab: {  	_ =	task [dreg:s7], $0x5FFFF  }
0xac: {  	[dreg:$0x1] =	wrdreg $0xFFFFFFFF  }
0xad: {  	[dreg:$0x0] =	wrdreg $0x60  }
0xae: {  	[dreg:$0x2] =	wrdreg s2  }
0xaf: {  	[dreg:$0x3] =	wrdreg s24  }
0xb0: {  	[dreg:$0x4] =	wrdreg $0x9  }
0xb1: {  	_ =	task.clear_ibuf [dreg:s7], $0x5FFFF;
	_ =	strace $0x90000049  }
0xb2: {  	s29 =	simm.s32 $0x9;
	_ =	strace $0x8000004B  }
0xb3: {  	_ =	swait.ge [sflag:s29], $0x1  }
0xb4: {  	[sflag:s29] =	ssyncadd.s32 $0xFFFFFFFF  }
0xb5: {  	_ =	strace $0x9000004B  }
0xb6: {  	_ =	sfence  }
0xb7: {  	s30 =	sld [smem:$0x0];
	_ =	sdelay $0x2  }
0xb8: {  	s31 =	sshll.u32 s1, $0xD;
	s1 =	sshrl.u32 s1, $0x2  }
0xb9: {  	s3 =	sand.u32 $0x4000, s31;
	s1 =	sadd.s32 s1, s30  }
0xba: {  	s0 =	sor.u32 s3, s0;
	s1 =	sshll.u32 s1, $0x11  }
0xbb: {  	s0 =	sor.u32 s1, s0  }
0xbc: {  	s0 =	sadd.s32 $0x8F2B, s0  }
0xbd: {  	[sflag:s0] =	ssyncadd.remote.s32 $0x1  }
0xbe: {  	_ =	sfence.sel $0xFFFF  }
0xbf: {  	[dreg:$0x0] =	wrdreg $0xFFFFFFFF;
	(pc) =	sbr.abs _section_cstart, $3  }
0xc0: {  	[dreg:$0x1] =	wrdreg $0xFFFFFFFF  }
0xc1: {  	_ =	task.clear_ibuf [dreg:s7], $0x2FFFF;
	_ =	strace $0x9FFFFFFF  }
0xc2: {  	(tm) =	ssettm $0x7FFFFFFF  }
0xc3: {  	_ =	shalt  }
tec
execute0_lowered:
.L_overlay_start_1:
0x0: {  	(tag) =	ssettag $0x1  }
0x1: {  	s1 =	srdreg.scid;
	s0 =	stileid.u32  }
0x2: {  	s12 =	sand.u32 $0x1, s1;
	s28 =	sshll.u32 s0, $0x1  }
0x3: {  	s11 =	sor.u32 s12, s28  }
0x4: {  	s2 =	rddreg [dreg:$0x0];
	s4 =	smul.u32 $0xC8, s11  }
0x5: {  	s10 =	rddreg [dreg:$0x1];
	s3 =	simm.s32 $0x0  }
0x6: {  	s5 =	simm.s32 $0x5;
	[smem:$0x7FF] =	sst s3;
	s4 =	sadd.s32 s4, s10  }
0x7: {  	s1 =	rddreg [dreg:$0x2];
	_ =	strace $0x8000004A;
	s4 =	sadd.s32 $0x3200, s4  }
0x8: {  	[tilespmem:s3], [sflag:$0x5] =	stream.linear.gather [hbm4b:s4+s3], $0x640, $0x38;
	[tilespmem:$0x19640] =	vst v63  }
0x9: {  	_ =	swait.ge [sflag:s5], $0x640  }
0xa: {  	s6 =	simm.s32 $0x320;
	[sflag:s5] =	ssyncset.done $0x0  }
0xb: {  	s7 =	simm.s32 $0x640;
	s8 =	simm.s32 $0xCE40;
	[sflag:s5] =	ssyncadd.s32 $0xFFFFF9C0  }
0xc: {  	[tilespmem:s7], [sflag:$0x1] =	stream.indirect.gather [hbm4b:s2+s6], $0x40, s3, s6, $0xb8;
	[tilespmem:$0x19640] =	vst v63  }
0xd: {  	s9 =	simm.s32 $0x1;
	s14 =	sadd.s32 $0x5EC00, s10;
	s13 =	smul.u32 $0x3200, s11  }
0xe: {  	[tilespmem:s8], [sflag:$0x2] =	stream.indirect.gather [hbm4b:s2+s6], $0x40, s6, s6, $0xb8;
	[tilespmem:$0x19640] =	vst v63  }
0xf: {  	s15 =	ssub.s32 $0x2, s12;
	s29 =	smul.u32 $0x19000, s11;
	_ =	swait.ge [sflag:s9], $0xC800  }
0x10: {  	s11 =	simm.s32 $0x2;
	s31 =	sshrl.u32 s15, $0x1;
	[sflag:s9] =	ssyncset.done $0x0  }
0x11: {  	s10 =	sadd.s32 s14, s13;
	s13 =	sshrl.u32 s29, $0x3;
	[sflag:s9] =	ssyncadd.s32 $0xFFFF3800  }
0x12: {  	[hbm4b:s10+s3] =	stream.linear.scatter [tilespmem:s7], [sflag:$0x3], $0xC800, $0x38;
	[tilespmem:$0x19640] =	vst v63  }
0x13: {  	s30 =	sadd.s32 s14, s13;
	s14 =	ssub.s32 s15, s31;
	_ =	swait.ge [sflag:s11], $0xC800  }
0x14: {  	s13 =	simm.s32 $0x3;
	s15 =	smax.u32 s14, $0x1;
	[sflag:s11] =	ssyncset.done $0x0  }
0x15: {  	s12 =	sadd.s32 $0x1900, s30;
	p0 =	sne.s32 s15, $0x1;
	[sflag:s11] =	ssyncadd.s32 $0xFFFF3800  }
0x16: {  	[hbm4b:s12+s3] =	stream.linear.scatter [tilespmem:s8], [sflag:$0x4], $0xC800, $0x38;
	[tilespmem:$0x19640] =	vst v63  }
.Ltmp0:
0x17: {  	_ =	swait.ge [sflag:s13], $0xC800;
	(pc) =	sbr.rel @!p0 .LBB2_2-.Ltmp0, $4  }
0x18: {  	[sflag:s13] =	ssyncset.done $0x0  }
0x19: {  	s14 =	simm.s32 $0x4;
	[sflag:s13] =	ssyncadd.s32 $0xFFFF3800  }
0x1a: {  	_ =	swait.ge [sflag:s14], $0xC800  }
0x1b: {  	s15 =	sadd.s32 $0xFFFFFFFF, s15;
	[sflag:s14] =	ssyncset.done $0x0  }
.LBB2_1:
0x1c: {  	p0 =	sne.s32 s15, $0x1;
	s15 =	sadd.s32 $0xFFFFFFFF, s15;
	[sflag:s14] =	ssyncadd.s32 $0xFFFF3800  }
0x1d: {  	[tilespmem:s3], [sflag:$0x5] =	stream.linear.gather [hbm4b:s4+s3], $0x640, $0x38;
	[tilespmem:$0x19640] =	vst v63  }
0x1e: {  	_ =	swait.ge [sflag:s5], $0x640  }
0x1f: {  	[sflag:s5] =	ssyncset.done $0x0  }
0x20: {  	[sflag:s5] =	ssyncadd.s32 $0xFFFFF9C0  }
0x21: {  	[tilespmem:s7], [sflag:$0x1] =	stream.indirect.gather [hbm4b:s2+s6], $0x40, s3, s6, $0xb8;
	[tilespmem:$0x19640] =	vst v63  }
0x22: {  	_ = 	snop  }
0x23: {  	[tilespmem:s8], [sflag:$0x2] =	stream.indirect.gather [hbm4b:s2+s6], $0x40, s6, s6, $0xb8;
	[tilespmem:$0x19640] =	vst v63  }
0x24: {  	_ =	swait.ge [sflag:s9], $0xC800  }
0x25: {  	[sflag:s9] =	ssyncset.done $0x0  }
0x26: {  	[sflag:s9] =	ssyncadd.s32 $0xFFFF3800  }
0x27: {  	[hbm4b:s10+s3] =	stream.linear.scatter [tilespmem:s7], [sflag:$0x3], $0xC800, $0x38;
	[tilespmem:$0x19640] =	vst v63  }
0x28: {  	_ =	swait.ge [sflag:s11], $0xC800  }
0x29: {  	[sflag:s11] =	ssyncset.done $0x0  }
0x2a: {  	[sflag:s11] =	ssyncadd.s32 $0xFFFF3800  }
0x2b: {  	[hbm4b:s12+s3] =	stream.linear.scatter [tilespmem:s8], [sflag:$0x4], $0xC800, $0x38;
	[tilespmem:$0x19640] =	vst v63  }
.Ltmp1:
0x2c: {  	_ =	swait.ge [sflag:s13], $0xC800;
	(pc) =	sbr.rel @p0 .LBB2_1-.Ltmp1, $4  }
0x2d: {  	[sflag:s13] =	ssyncset.done $0x0  }
0x2e: {  	[sflag:s13] =	ssyncadd.s32 $0xFFFF3800  }
0x2f: {  	_ =	swait.ge [sflag:s14], $0xC800  }
0x30: {  	[sflag:s14] =	ssyncset.done $0x0  }
.LBB2_2:
0x31: {  	[sflag:s14] =	ssyncadd.s32 $0xFFFF3800  }
0x32: {  	_ =	sfence.sel $0x180000  }
0x33: {  	[bflag:$0x0] =	sbarrier.arrive $0xFFFF  }
0x34: {  	p0 =	sne.s32 s0, $0x0;
	_ =	strace $0x9000004A  }
0x35: {  	s0 =	sadd.s32 @!p0 $0x100000, s1;
	[bflag:$0x2] =	sbarrier.arrive $0xFFFF  }
0x36: {  	[sflag:s0] =	ssyncadd.tile.s32 @!p0 $0x1;
	_ =	shalt  }
.Lfunc_end2:
_tile_overlayer_lowered:
.L_overlay_start_2:
0x37: {  	(tag) =	ssettag $0x2  }
0x38: {  	s0 =	rddreg [dreg:$0x0];
	s2 =	stileid.u32  }
0x39: {  	s1 =	rddreg [dreg:$0x1];
	p0 =	sne.s32 s2, $0x0  }
0x3a: {  	s3 =	rddreg [dreg:$0x2];
	[bflag:$0x3] =	sbarrier.arrive $0xFFFF;
	s2 =	simm.s32 @!p0 $0x1C05  }
0x3b: {  	[timem:s3], [sflag:s2] =	dma.local @!p0 [hbm:s0], s1  }
0x3c: {  	s0 =	simm.s32 @!p0 $0x5  }
0x3d: {  	_ =	swait.ge @!p0 [sflag:s0], s1  }
0x3e: {  	s1 =	ssub.s32 @!p0 $0x0, s1;
	[sflag:s0] =	ssyncset.done @!p0 $0x0  }
0x3f: {  	[sflag:s0] =	ssyncadd.s32 @!p0 s1  }
0x40: {  	[bflag:$0x3] =	sbarrier.arrive $0xFFFF  }
0x41: {  	_ =	shalt  }

// kernel: kernel.15.cloned.1.call-start
scs
__scs_entry_jumppad:
0x0: {  	(pc) =	sbr.rel $0x88, $3  }
0x1: {  	(tag) =	ssettag $0x0;
	lr =	simm.s32 $0x1  }
0x2: {  	[smem:$0x3F94] =	sst lr;
	_ =	strace $0xD0000000  }
0x3: {  	_ = 	snop  }
0x4: {  	_ = 	snop  }
0x5: {  	_ = 	snop  }
0x6: {  	_ = 	snop  }
0x7: {  	_ = 	snop  }
__scs_overlays_trampoline_lowered:
0x8: {  	[smem:$0x3FA3] =	sst s0  }
0x9: {  	[smem:$0x3FA4] =	sst s1  }
0xa: {  	[smem:$0x3FA5] =	sst s2  }
0xb: {  	[smem:$0x3FA6] =	sst s3  }
0xc: {  	[smem:$0x3FA7] =	sst s4  }
0xd: {  	[smem:$0x3FA8] =	sst s5  }
0xe: {  	[smem:$0x3FA9] =	sst s6  }
0xf: {  	[smem:$0x3FAA] =	sst s7  }
0x10: {  	[smem:$0x3FAB] =	sst s8  }
0x11: {  	[smem:$0x3FAC] =	sst s9;
	s0 =	simm.s32 @!p0 $0x0  }
0x12: {  	s1 =	sld [smem:$0x3F92];
	s0 =	simm.s32 @p0 $0x1  }
0x13: {  	[smem:$0x3FAD] =	sst s0;
	s0 =	simm.s32 @!p1 $0x0  }
0x14: {  	s2 =	sld [smem:$0x3F91];
	s0 =	simm.s32 @p1 $0x1  }
0x15: {  	[smem:$0x3FAE] =	sst s0;
	s0 =	simm.s32 @!p2 $0x0  }
0x16: {  	s3 =	sld [smem:$0x3FDB];
	s0 =	simm.s32 @p2 $0x1  }
0x17: {  	s4 =	simm.s32 $0x1BF5;
	[smem:$0x3FB0] =	sst s0  }
0x18: {  	s0 =	sld [smem:$0x3F93];
	_ =	swait.ge [sflag:s4], $0x0  }
0x19: {  	s7 =	sld [smem:$0x3F94]  }
0x1a: {  	s8 =	sadd.s32 $0xFFFFE003, lr  }
0x1b: {  	s9 =	sadd.s32 $0xFFFFFEF7, lr;
	s5 =	simm.s32 $0xFFFFFFFF;
	p2 =	slt.u32 s8, $0xFFFFF086  }
0x1c: {  	p1 =	slt.u32 s9, $0xF7A;
	s5 =	simm.s32 @!p2 $0x0  }
0x1d: {  	s5 =	simm.s32 @p1 $0x1;
	p0 =	seq.s32 s7, s2  }
0x1e: {  	s7 =	smul.u32 @!p0 $0xF7A, s2;
	p2 =	seq.s32 @!p0 s5, $0x0  }
0x1f: {  	s9 =	smul.u32 $0xF7A, s1;
	s8 =	simm.s32 @!p0 $0x1BF5;
	p2 =	por !p2, p0  }
0x20: {  	[sflag:s8] =	ssyncset.s32 @!p0 $0xFFFFF086;
	s6 =	sadd.s32 @!p0 s3, s7;
	s7 =	simm.s32 @!p0 $0x108  }
0x21: {  	s3 =	sadd.s32 s3, s9;
	s6 =	sadd.s32 @!p0 $0x88, s6;
	s7 =	simm.s32 @p2 $0x1082  }
0x22: {  	[simem:s7], [sflag:s8] =	dma.local @!p0 [hbm:s6], $0xF7A  }
0x23: {  	s9 =	sor.u32 $0xD0000000, s2;
	s6 =	simm.s32 $0x108;
	_ =	swait.ge @!p0 [sflag:s8], $0x0  }
0x24: {  	s3 =	sadd.s32 $0x88, s3;
	s6 =	simm.s32 @!p1 $0x1082;
	[sflag:s4] =	ssyncset.s32 $0xFFFFF086  }
0x25: {  	[simem:s6], [sflag:s4] =	dma.local [hbm:s3], $0xF7A  }
0x26: {  	[smem:$0x3F94] =	sst s1;
	(tag) =	ssettag s2;
	_ =	strace s9  }
0x27: {  	s1 =	sld [smem:$0x3FA4]  }
0x28: {  	s2 =	sld [smem:$0x3FA5]  }
0x29: {  	s4 =	sld [smem:$0x3FA7]  }
0x2a: {  	p0 =	seq.s32 s5, $0x0;
	s5 =	sld [smem:$0x3FA8]  }
0x2b: {  	s6 =	sld [smem:$0x3FA9]  }
0x2c: {  	s7 =	sld [smem:$0x3FAA]  }
0x2d: {  	s3 =	simm.s32 $0x108;
	s8 =	sld [smem:$0x3FAB]  }
0x2e: {  	s3 =	simm.s32 @!p0 $0x1082;
	s9 =	sld [smem:$0x3FAC]  }
0x2f: {  	lr =	sadd.s32 s0, s3;
	s0 =	sld [smem:$0x3FA3]  }
0x30: {  	s3 =	sld [smem:$0x3FA6]  }
0x31: {  	[smem:$0x3FAF] =	sst s10  }
0x32: {  	s10 =	sld [smem:$0x3FAD];
	_ =	sdelay $0x3  }
0x33: {  	p0 =	seq.s32 s10, $0x1;
	s10 =	sld [smem:$0x3FAF];
	_ =	sdelay $0x3  }
0x34: {  	[smem:$0x3FAF] =	sst s10  }
0x35: {  	s10 =	sld [smem:$0x3FAE];
	_ =	sdelay $0x3  }
0x36: {  	p1 =	seq.s32 s10, $0x1;
	s10 =	sld [smem:$0x3FAF];
	_ =	sdelay $0x3  }
0x37: {  	[smem:$0x3FAF] =	sst s10  }
0x38: {  	s10 =	sld [smem:$0x3FB0]  }
0x39: {  	_ = 	snop;
	(pc) =	sbr.ind lr, $3  }
0x3a: {  	_ = 	snop  }
0x3b: {  	_ = 	snop  }
0x3c: {  	p2 =	seq.s32 s10, $0x1;
	s10 =	sld [smem:$0x3FAF]  }
0x3d: {  	_ =	shalt  }
0x3e: {  	_ =	shalt  }
0x3f: {  	_ =	shalt  }
0x40: {  	_ =	shalt  }
0x41: {  	_ =	shalt  }
0x42: {  	_ =	shalt  }
0x43: {  	_ =	shalt  }
0x44: {  	_ =	shalt  }
0x45: {  	_ =	shalt  }
0x46: {  	_ =	shalt  }
0x47: {  	_ =	shalt  }
0x48: {  	_ =	shalt  }
0x49: {  	_ =	shalt  }
0x4a: {  	_ =	shalt  }
0x4b: {  	_ =	shalt  }
0x4c: {  	_ =	shalt  }
0x4d: {  	_ =	shalt  }
0x4e: {  	_ =	shalt  }
0x4f: {  	_ =	shalt  }
0x50: {  	_ =	shalt  }
0x51: {  	_ =	shalt  }
0x52: {  	_ =	shalt  }
0x53: {  	_ =	shalt  }
0x54: {  	_ =	shalt  }
0x55: {  	_ =	shalt  }
0x56: {  	_ =	shalt  }
0x57: {  	_ =	shalt  }
0x58: {  	_ =	shalt  }
0x59: {  	_ =	shalt  }
0x5a: {  	_ =	shalt  }
0x5b: {  	_ =	shalt  }
0x5c: {  	_ =	shalt  }
0x5d: {  	_ =	shalt  }
0x5e: {  	_ =	shalt  }
0x5f: {  	_ =	shalt  }
0x60: {  	_ =	shalt  }
0x61: {  	_ =	shalt  }
0x62: {  	_ =	shalt  }
0x63: {  	_ =	shalt  }
0x64: {  	_ =	shalt  }
0x65: {  	_ =	shalt  }
0x66: {  	_ =	shalt  }
0x67: {  	_ =	shalt  }
0x68: {  	_ =	shalt  }
0x69: {  	_ =	shalt  }
0x6a: {  	_ =	shalt  }
0x6b: {  	_ =	shalt  }
0x6c: {  	_ =	shalt  }
0x6d: {  	_ =	shalt  }
0x6e: {  	_ =	shalt  }
0x6f: {  	_ =	shalt  }
0x70: {  	_ =	shalt  }
0x71: {  	_ =	shalt  }
0x72: {  	_ =	shalt  }
0x73: {  	_ =	shalt  }
0x74: {  	_ =	shalt  }
0x75: {  	_ =	shalt  }
0x76: {  	_ =	shalt  }
0x77: {  	_ =	shalt  }
0x78: {  	_ =	shalt  }
0x79: {  	_ =	shalt  }
0x7a: {  	_ =	shalt  }
0x7b: {  	_ =	shalt  }
0x7c: {  	_ =	shalt  }
0x7d: {  	_ =	shalt  }
0x7e: {  	_ =	shalt  }
0x7f: {  	_ =	shalt  }
0x80: {  	_ =	shalt  }
0x81: {  	_ =	shalt  }
0x82: {  	_ =	shalt  }
0x83: {  	_ =	shalt  }
0x84: {  	_ =	shalt  }
0x85: {  	_ =	shalt  }
0x86: {  	_ =	shalt  }
0x87: {  	_ =	shalt  }
.Lfunc_end0:
.L_simem_size_0:
called_computation.2_lowered:
.L_overlay_start_0:
0x88: {  	s2 =	sld [smem:$0x3FD9]  }
0x89: {  	s3 =	sld [smem:$0x3FFE];
	_ =	sdelay $0x1  }
0x8a: {  	s1 =	srdreg.scid  }
0x8b: {  	s0 =	sand.u32 $0x1, s1  }
0x8c: {  	s16 =	sshll.u32 s0, $0xA;
	s2 =	sadd.s32 s3, s2  }
0x8d: {  	s2 =	sadd.s32 s2, s16  }
0x8e: {  	[smem:$0x3FBB] =	sst s2  }
0x8f: {  	_ = 	snop  }
0x90: {  	(tm) =	ssettm $0x1  }
0x91: {  	s17 =	sld [smem:$0x3FFB];
	_ =	sdelay $0x3  }
0x92: {  	_ =	strace s17  }
0x93: {  	s2 =	sld [smem:$0x3FFC];
	_ =	sdelay $0x3  }
0x94: {  	_ =	strace s2  }
0x95: {  	s2 =	sld [smem:$0x3FFD];
	_ =	sdelay $0x3  }
0x96: {  	_ =	strace s2  }
0x97: {  	_ =	strace $0x8FFFFFFF  }
0x98: {  	s18 =	sld [smem:$0x3FDB];
	_ =	sdelay $0x1  }
0x99: {  	s19 =	simm.s32 $_scs_section_size  }
0x9a: {  	s4 =	simm.s32 $_size__tile_overlayer_lowered;
	s5 =	simm.s32 $_tile_overlayer_lowered  }
0x9b: {  	s22 =	simm.s32 $0x1BFF;
	s21 =	sshll.u32 s5, $0x1;
	s2 =	sadd.s32 s19, s18  }
0x9c: {  	s6 =	simm.s32 $0x0;
	s20 =	sshll.u32 s4, $0x1;
	s4 =	sadd.s32 s21, s2  }
0x9d: {  	[timem:s6], [sflag:s22] =	dma.local [hbm:s4], s20  }
0x9e: {  	_ =	swait.ge [sflag:s22], s20  }
0x9f: {  	s3 =	ssub.s32 $0x0, s20;
	[sflag:s22] =	ssyncset.done $0x0  }
0xa0: {  	[sflag:s22] =	ssyncadd.s32 s3;
	_ =	sdelay $0x1  }
0xa1: {  	s23 =	simm.s32 $0x1B8B  }
0xa2: {  	_ =	swait.ge [sflag:s23], $0x1  }
0xa3: {  	[sflag:s23] =	ssyncset.done $0x0  }
0xa4: {  	s25 =	simm.s32 $0x1B8E;
	s24 =	sld [smem:$0x3FFE];
	[sflag:s23] =	ssyncadd.s32 $0xFFFFFFFF  }
0xa5: {  	s26 =	simm.s32 $execute0_lowered;
	[smem:$0x3FD2] =	sst s25  }
0xa6: {  	s4 =	sshll.u32 s26, $0x1;
	_ =	strace $0x8000004C;
	[dreg:$0x1] =	wrdreg $0xFFFFFFFF  }
0xa7: {  	s28 =	simm.s32 $_size_execute0_lowered;
	s2 =	sadd.s32 s2, s4;
	[dreg:$0x0] =	wrdreg $0x0  }
0xa8: {  	s4 =	sshll.u32 s28, $0x1;
	[dreg:$0x2] =	wrdreg s2  }
0xa9: {  	[dreg:$0x3] =	wrdreg s4  }
0xaa: {  	[dreg:$0x4] =	wrdreg $0xC0  }
0xab: {  	_ =	task [dreg:s6], $0x5FFFF  }
0xac: {  	[dreg:$0x1] =	wrdreg $0xFFFFFFFF  }
0xad: {  	[dreg:$0x0] =	wrdreg $0x60  }
0xae: {  	[dreg:$0x2] =	wrdreg s24  }
0xaf: {  	[dreg:$0x3] =	wrdreg $0x9  }
0xb0: {  	_ =	task.clear_ibuf [dreg:s6], $0x4FFFF;
	_ =	strace $0x9000004C  }
0xb1: {  	s29 =	simm.s32 $0x9;
	_ =	strace $0x8000004E  }
0xb2: {  	_ =	swait.ge [sflag:s29], $0x1  }
0xb3: {  	[sflag:s29] =	ssyncadd.s32 $0xFFFFFFFF  }
0xb4: {  	_ =	strace $0x9000004E  }
0xb5: {  	_ =	sfence  }
0xb6: {  	s30 =	sld [smem:$0x0];
	_ =	sdelay $0x2  }
0xb7: {  	s31 =	sshll.u32 s1, $0xD;
	s1 =	sshrl.u32 s1, $0x2  }
0xb8: {  	s3 =	sand.u32 $0x4000, s31;
	s1 =	sadd.s32 s1, s30  }
0xb9: {  	s0 =	sor.u32 s3, s0;
	s1 =	sshll.u32 s1, $0x11  }
0xba: {  	s0 =	sor.u32 s1, s0  }
0xbb: {  	s0 =	sadd.s32 $0x8F2B, s0  }
0xbc: {  	[sflag:s0] =	ssyncadd.remote.s32 $0x1  }
0xbd: {  	_ =	sfence.sel $0xFFFF  }
0xbe: {  	[dreg:$0x0] =	wrdreg $0xFFFFFFFF;
	(pc) =	sbr.abs _section_cstart, $3  }
0xbf: {  	[dreg:$0x1] =	wrdreg $0xFFFFFFFF  }
0xc0: {  	_ =	task.clear_ibuf [dreg:s6], $0x2FFFF;
	_ =	strace $0x9FFFFFFF  }
0xc1: {  	(tm) =	ssettm $0x7FFFFFFF  }
tec
execute0_lowered:
.L_overlay_start_1:
0x0: {  	(tag) =	ssettag $0x1  }
0x1: {  	s1 =	srdreg.scid;
	s0 =	stileid.u32  }
0x2: {  	s18 =	sand.u32 $0x1, s1;
	s30 =	sshll.u32 s0, $0x1  }
0x3: {  	s12 =	sor.u32 s18, s30  }
0x4: {  	s3 =	smul.u32 $0xC8, s12  }
0x5: {  	s10 =	rddreg [dreg:$0x0];
	s2 =	simm.s32 $0x0  }
0x6: {  	s4 =	simm.s32 $0x5;
	[smem:$0x7FF] =	sst s2;
	s3 =	sadd.s32 s3, s10  }
0x7: {  	s1 =	rddreg [dreg:$0x1];
	_ =	strace $0x8000004D;
	s3 =	sadd.s32 $0x3200, s3  }
0x8: {  	[tilespmem:s2], [sflag:$0x5] =	stream.linear.gather [hbm4b:s3+s2], $0x640, $0x38;
	[tilespmem:$0x19640] =	vst v63  }
0x9: {  	_ =	swait.ge [sflag:s4], $0x640  }
0xa: {  	s6 =	simm.s32 $0x190;
	[sflag:s4] =	ssyncset.done $0x0  }
0xb: {  	s7 =	simm.s32 $0x640;
	s5 =	sadd.s32 $0x4C00, s10;
	[sflag:s4] =	ssyncadd.s32 $0xFFFFF9C0  }
0xc: {  	[tilespmem:s7], [sflag:$0x1] =	stream.indirect.gather [hbm4b:s5+s6], $0x80, s2, s6, $0xb8;
	[tilespmem:$0x19640] =	vst v63  }
0xd: {  	s8 =	simm.s32 $0xCE40;
	s9 =	simm.s32 $0x1  }
0xe: {  	[tilespmem:s8], [sflag:$0x2] =	stream.indirect.gather [hbm4b:s5+s6], $0x80, s6, s6, $0xb8;
	[tilespmem:$0x19640] =	vst v63  }
0xf: {  	s11 =	smul.u32 $0x6400, s12;
	_ =	swait.ge [sflag:s9], $0xC800  }
0x10: {  	s14 =	sadd.s32 $0x2CC00, s10;
	[sflag:s9] =	ssyncset.done $0x0  }
0x11: {  	s10 =	sadd.s32 s14, s11;
	s11 =	simm.s32 $0x3;
	[sflag:s9] =	ssyncadd.s32 $0xFFFF3800  }
0x12: {  	[hbm4b:s10+s2] =	stream.linear.scatter [tilespmem:s7], [sflag:$0x3], $0xC800, $0x38;
	[tilespmem:$0x19640] =	vst v63  }
0x13: {  	_ =	swait.ge [sflag:s11], $0xC800  }
0x14: {  	s13 =	simm.s32 $0x2;
	[sflag:s11] =	ssyncset.done $0x0  }
0x15: {  	s15 =	smul.u32 $0x32000, s12;
	s12 =	simm.s32 $0x320;
	[sflag:s11] =	ssyncadd.s32 $0xFFFF3800  }
0x16: {  	[tilespmem:s7], [sflag:$0x1] =	stream.indirect.gather [hbm4b:s5+s6], $0x80, s12, s6, $0xb8;
	[tilespmem:$0x19640] =	vst v63  }
0x17: {  	s15 =	sshrl.u32 s15, $0x3;
	_ =	swait.ge [sflag:s13], $0xC800  }
0x18: {  	s19 =	sadd.s32 s14, s15;
	[sflag:s13] =	ssyncset.done $0x0  }
0x19: {  	s14 =	simm.s32 $0x4;
	s15 =	sadd.s32 $0x1900, s19;
	[sflag:s13] =	ssyncadd.s32 $0xFFFF3800  }
0x1a: {  	[hbm4b:s15+s2] =	stream.linear.scatter [tilespmem:s8], [sflag:$0x4], $0xC800, $0x38;
	[tilespmem:$0x19640] =	vst v63  }
0x1b: {  	_ =	swait.ge [sflag:s14], $0xC800  }
0x1c: {  	[sflag:s14] =	ssyncset.done $0x0  }
0x1d: {  	s16 =	simm.s32 $0x4B0;
	[sflag:s14] =	ssyncadd.s32 $0xFFFF3800  }
0x1e: {  	[tilespmem:s8], [sflag:$0x2] =	stream.indirect.gather [hbm4b:s5+s6], $0x80, s16, s6, $0xb8;
	[tilespmem:$0x19640] =	vst v63  }
0x1f: {  	_ =	swait.ge [sflag:s9], $0xC800  }
0x20: {  	s20 =	ssub.s32 $0x2, s18;
	[sflag:s9] =	ssyncset.done $0x0  }
0x21: {  	s31 =	sshrl.u32 s20, $0x1;
	s17 =	sadd.s32 $0x3200, s19;
	[sflag:s9] =	ssyncadd.s32 $0xFFFF3800  }
0x22: {  	[hbm4b:s17+s2] =	stream.linear.scatter [tilespmem:s7], [sflag:$0x3], $0xC800, $0x38;
	[tilespmem:$0x19640] =	vst v63  }
0x23: {  	s18 =	sadd.s32 $0x4B00, s19;
	s19 =	ssub.s32 s20, s31;
	_ =	swait.ge [sflag:s13], $0xC800  }
0x24: {  	s19 =	smax.u32 s19, $0x1;
	[sflag:s13] =	ssyncset.done $0x0  }
0x25: {  	p0 =	sne.s32 s19, $0x1;
	[sflag:s13] =	ssyncadd.s32 $0xFFFF3800  }
0x26: {  	[hbm4b:s18+s2] =	stream.linear.scatter [tilespmem:s8], [sflag:$0x4], $0xC800, $0x38;
	[tilespmem:$0x19640] =	vst v63  }
.Ltmp0:
0x27: {  	_ =	swait.ge [sflag:s11], $0xC800;
	(pc) =	sbr.rel @!p0 .LBB2_2-.Ltmp0, $4  }
0x28: {  	[sflag:s11] =	ssyncset.done $0x0  }
0x29: {  	[sflag:s11] =	ssyncadd.s32 $0xFFFF3800  }
0x2a: {  	_ =	swait.ge [sflag:s14], $0xC800  }
0x2b: {  	s19 =	sadd.s32 $0xFFFFFFFF, s19;
	[sflag:s14] =	ssyncset.done $0x0  }
.LBB2_1:
0x2c: {  	p0 =	sne.s32 s19, $0x1;
	s19 =	sadd.s32 $0xFFFFFFFF, s19;
	[sflag:s14] =	ssyncadd.s32 $0xFFFF3800  }
0x2d: {  	[tilespmem:s2], [sflag:$0x5] =	stream.linear.gather [hbm4b:s3+s2], $0x640, $0x38;
	[tilespmem:$0x19640] =	vst v63  }
0x2e: {  	_ =	swait.ge [sflag:s4], $0x640  }
0x2f: {  	[sflag:s4] =	ssyncset.done $0x0  }
0x30: {  	[sflag:s4] =	ssyncadd.s32 $0xFFFFF9C0  }
0x31: {  	[tilespmem:s7], [sflag:$0x1] =	stream.indirect.gather [hbm4b:s5+s6], $0x80, s2, s6, $0xb8;
	[tilespmem:$0x19640] =	vst v63  }
0x32: {  	_ = 	snop  }
0x33: {  	[tilespmem:s8], [sflag:$0x2] =	stream.indirect.gather [hbm4b:s5+s6], $0x80, s6, s6, $0xb8;
	[tilespmem:$0x19640] =	vst v63  }
0x34: {  	_ =	swait.ge [sflag:s9], $0xC800  }
0x35: {  	[sflag:s9] =	ssyncset.done $0x0  }
0x36: {  	[sflag:s9] =	ssyncadd.s32 $0xFFFF3800  }
0x37: {  	[hbm4b:s10+s2] =	stream.linear.scatter [tilespmem:s7], [sflag:$0x3], $0xC800, $0x38;
	[tilespmem:$0x19640] =	vst v63  }
0x38: {  	_ =	swait.ge [sflag:s11], $0xC800  }
0x39: {  	[sflag:s11] =	ssyncset.done $0x0  }
0x3a: {  	[sflag:s11] =	ssyncadd.s32 $0xFFFF3800  }
0x3b: {  	[tilespmem:s7], [sflag:$0x1] =	stream.indirect.gather [hbm4b:s5+s6], $0x80, s12, s6, $0xb8;
	[tilespmem:$0x19640] =	vst v63  }
0x3c: {  	_ =	swait.ge [sflag:s13], $0xC800  }
0x3d: {  	[sflag:s13] =	ssyncset.done $0x0  }
0x3e: {  	[sflag:s13] =	ssyncadd.s32 $0xFFFF3800  }
0x3f: {  	[hbm4b:s15+s2] =	stream.linear.scatter [tilespmem:s8], [sflag:$0x4], $0xC800, $0x38;
	[tilespmem:$0x19640] =	vst v63  }
0x40: {  	_ =	swait.ge [sflag:s14], $0xC800  }
0x41: {  	[sflag:s14] =	ssyncset.done $0x0  }
0x42: {  	[sflag:s14] =	ssyncadd.s32 $0xFFFF3800  }
0x43: {  	[tilespmem:s8], [sflag:$0x2] =	stream.indirect.gather [hbm4b:s5+s6], $0x80, s16, s6, $0xb8;
	[tilespmem:$0x19640] =	vst v63  }
0x44: {  	_ =	swait.ge [sflag:s9], $0xC800  }
0x45: {  	[sflag:s9] =	ssyncset.done $0x0  }
0x46: {  	[sflag:s9] =	ssyncadd.s32 $0xFFFF3800  }
0x47: {  	[hbm4b:s17+s2] =	stream.linear.scatter [tilespmem:s7], [sflag:$0x3], $0xC800, $0x38;
	[tilespmem:$0x19640] =	vst v63  }
0x48: {  	_ =	swait.ge [sflag:s13], $0xC800  }
0x49: {  	[sflag:s13] =	ssyncset.done $0x0  }
0x4a: {  	[sflag:s13] =	ssyncadd.s32 $0xFFFF3800  }
0x4b: {  	[hbm4b:s18+s2] =	stream.linear.scatter [tilespmem:s8], [sflag:$0x4], $0xC800, $0x38;
	[tilespmem:$0x19640] =	vst v63  }
.Ltmp1:
0x4c: {  	_ =	swait.ge [sflag:s11], $0xC800;
	(pc) =	sbr.rel @p0 .LBB2_1-.Ltmp1, $4  }
0x4d: {  	[sflag:s11] =	ssyncset.done $0x0  }
0x4e: {  	[sflag:s11] =	ssyncadd.s32 $0xFFFF3800  }
0x4f: {  	_ =	swait.ge [sflag:s14], $0xC800  }
0x50: {  	[sflag:s14] =	ssyncset.done $0x0  }
.LBB2_2:
0x51: {  	[sflag:s14] =	ssyncadd.s32 $0xFFFF3800  }
0x52: {  	_ =	sfence.sel $0x180000  }
0x53: {  	[bflag:$0x0] =	sbarrier.arrive $0xFFFF  }
0x54: {  	p0 =	sne.s32 s0, $0x0;
	_ =	strace $0x9000004D  }
0x55: {  	s0 =	sadd.s32 @!p0 $0x100000, s1;
	[bflag:$0x2] =	sbarrier.arrive $0xFFFF  }
0x56: {  	[sflag:s0] =	ssyncadd.tile.s32 @!p0 $0x1;
	_ =	shalt  }
.Lfunc_end2:
_tile_overlayer_lowered:
.L_overlay_start_2:
0x57: {  	(tag) =	ssettag $0x2  }
0x58: {  	s0 =	rddreg [dreg:$0x0];
	s2 =	stileid.u32  }
0x59: {  	s1 =	rddreg [dreg:$0x1];
	p0 =	sne.s32 s2, $0x0  }
0x5a: {  	s3 =	rddreg [dreg:$0x2];
	[bflag:$0x3] =	sbarrier.arrive $0xFFFF;
	s2 =	simm.s32 @!p0 $0x1C05  }
0x5b: {  	[timem:s3], [sflag:s2] =	dma.local @!p0 [hbm:s0], s1  }
0x5c: {  	s0 =	simm.s32 @!p0 $0x5  }
0x5d: {  	_ =	swait.ge @!p0 [sflag:s0], s1  }
0x5e: {  	s1 =	ssub.s32 @!p0 $0x0, s1;
	[sflag:s0] =	ssyncset.done @!p0 $0x0  }
0x5f: {  	[sflag:s0] =	ssyncadd.s32 @!p0 s1  }
0x60: {  	[bflag:$0x3] =	sbarrier.arrive $0xFFFF  }
0x61: {  	_ =	shalt  }

// kernel: kernel.9.cloned.1.call-start
scs
__scs_entry_jumppad:
0x0: {  	(pc) =	sbr.rel $0x88, $3  }
0x1: {  	(tag) =	ssettag $0x0;
	lr =	simm.s32 $0x1  }
0x2: {  	[smem:$0x3F94] =	sst lr;
	_ =	strace $0xD0000000  }
0x3: {  	_ = 	snop  }
0x4: {  	_ = 	snop  }
0x5: {  	_ = 	snop  }
0x6: {  	_ = 	snop  }
0x7: {  	_ = 	snop  }
__scs_overlays_trampoline_lowered:
0x8: {  	[smem:$0x3FA3] =	sst s0  }
0x9: {  	[smem:$0x3FA4] =	sst s1  }
0xa: {  	[smem:$0x3FA5] =	sst s2  }
0xb: {  	[smem:$0x3FA6] =	sst s3  }
0xc: {  	[smem:$0x3FA7] =	sst s4  }
0xd: {  	[smem:$0x3FA8] =	sst s5  }
0xe: {  	[smem:$0x3FA9] =	sst s6  }
0xf: {  	[smem:$0x3FAA] =	sst s7  }
0x10: {  	[smem:$0x3FAB] =	sst s8  }
0x11: {  	[smem:$0x3FAC] =	sst s9;
	s0 =	simm.s32 @!p0 $0x0  }
0x12: {  	s1 =	sld [smem:$0x3F92];
	s0 =	simm.s32 @p0 $0x1  }
0x13: {  	[smem:$0x3FAD] =	sst s0;
	s0 =	simm.s32 @!p1 $0x0  }
0x14: {  	s2 =	sld [smem:$0x3F91];
	s0 =	simm.s32 @p1 $0x1  }
0x15: {  	[smem:$0x3FAE] =	sst s0;
	s0 =	simm.s32 @!p2 $0x0  }
0x16: {  	s3 =	sld [smem:$0x3FDB];
	s0 =	simm.s32 @p2 $0x1  }
0x17: {  	s4 =	simm.s32 $0x1BF5;
	[smem:$0x3FB0] =	sst s0  }
0x18: {  	s0 =	sld [smem:$0x3F93];
	_ =	swait.ge [sflag:s4], $0x0  }
0x19: {  	s7 =	sld [smem:$0x3F94]  }
0x1a: {  	s8 =	sadd.s32 $0xFFFFE003, lr  }
0x1b: {  	s9 =	sadd.s32 $0xFFFFFEF7, lr;
	s5 =	simm.s32 $0xFFFFFFFF;
	p2 =	slt.u32 s8, $0xFFFFF086  }
0x1c: {  	p1 =	slt.u32 s9, $0xF7A;
	s5 =	simm.s32 @!p2 $0x0  }
0x1d: {  	s5 =	simm.s32 @p1 $0x1;
	p0 =	seq.s32 s7, s2  }
0x1e: {  	s7 =	smul.u32 @!p0 $0xF7A, s2;
	p2 =	seq.s32 @!p0 s5, $0x0  }
0x1f: {  	s9 =	smul.u32 $0xF7A, s1;
	s8 =	simm.s32 @!p0 $0x1BF5;
	p2 =	por !p2, p0  }
0x20: {  	[sflag:s8] =	ssyncset.s32 @!p0 $0xFFFFF086;
	s6 =	sadd.s32 @!p0 s3, s7;
	s7 =	simm.s32 @!p0 $0x108  }
0x21: {  	s3 =	sadd.s32 s3, s9;
	s6 =	sadd.s32 @!p0 $0x88, s6;
	s7 =	simm.s32 @p2 $0x1082  }
0x22: {  	[simem:s7], [sflag:s8] =	dma.local @!p0 [hbm:s6], $0xF7A  }
0x23: {  	s9 =	sor.u32 $0xD0000000, s2;
	s6 =	simm.s32 $0x108;
	_ =	swait.ge @!p0 [sflag:s8], $0x0  }
0x24: {  	s3 =	sadd.s32 $0x88, s3;
	s6 =	simm.s32 @!p1 $0x1082;
	[sflag:s4] =	ssyncset.s32 $0xFFFFF086  }
0x25: {  	[simem:s6], [sflag:s4] =	dma.local [hbm:s3], $0xF7A  }
0x26: {  	[smem:$0x3F94] =	sst s1;
	(tag) =	ssettag s2;
	_ =	strace s9  }
0x27: {  	s1 =	sld [smem:$0x3FA4]  }
0x28: {  	s2 =	sld [smem:$0x3FA5]  }
0x29: {  	s4 =	sld [smem:$0x3FA7]  }
0x2a: {  	p0 =	seq.s32 s5, $0x0;
	s5 =	sld [smem:$0x3FA8]  }
0x2b: {  	s6 =	sld [smem:$0x3FA9]  }
0x2c: {  	s7 =	sld [smem:$0x3FAA]  }
0x2d: {  	s3 =	simm.s32 $0x108;
	s8 =	sld [smem:$0x3FAB]  }
0x2e: {  	s3 =	simm.s32 @!p0 $0x1082;
	s9 =	sld [smem:$0x3FAC]  }
0x2f: {  	lr =	sadd.s32 s0, s3;
	s0 =	sld [smem:$0x3FA3]  }
0x30: {  	s3 =	sld [smem:$0x3FA6]  }
0x31: {  	[smem:$0x3FAF] =	sst s10  }
0x32: {  	s10 =	sld [smem:$0x3FAD];
	_ =	sdelay $0x3  }
0x33: {  	p0 =	seq.s32 s10, $0x1;
	s10 =	sld [smem:$0x3FAF];
	_ =	sdelay $0x3  }
0x34: {  	[smem:$0x3FAF] =	sst s10  }
0x35: {  	s10 =	sld [smem:$0x3FAE];
	_ =	sdelay $0x3  }
0x36: {  	p1 =	seq.s32 s10, $0x1;
	s10 =	sld [smem:$0x3FAF];
	_ =	sdelay $0x3  }
0x37: {  	[smem:$0x3FAF] =	sst s10  }
0x38: {  	s10 =	sld [smem:$0x3FB0]  }
0x39: {  	_ = 	snop;
	(pc) =	sbr.ind lr, $3  }
0x3a: {  	_ = 	snop  }
0x3b: {  	_ = 	snop  }
0x3c: {  	p2 =	seq.s32 s10, $0x1;
	s10 =	sld [smem:$0x3FAF]  }
0x3d: {  	_ =	shalt  }
0x3e: {  	_ =	shalt  }
0x3f: {  	_ =	shalt  }
0x40: {  	_ =	shalt  }
0x41: {  	_ =	shalt  }
0x42: {  	_ =	shalt  }
0x43: {  	_ =	shalt  }
0x44: {  	_ =	shalt  }
0x45: {  	_ =	shalt  }
0x46: {  	_ =	shalt  }
0x47: {  	_ =	shalt  }
0x48: {  	_ =	shalt  }
0x49: {  	_ =	shalt  }
0x4a: {  	_ =	shalt  }
0x4b: {  	_ =	shalt  }
0x4c: {  	_ =	shalt  }
0x4d: {  	_ =	shalt  }
0x4e: {  	_ =	shalt  }
0x4f: {  	_ =	shalt  }
0x50: {  	_ =	shalt  }
0x51: {  	_ =	shalt  }
0x52: {  	_ =	shalt  }
0x53: {  	_ =	shalt  }
0x54: {  	_ =	shalt  }
0x55: {  	_ =	shalt  }
0x56: {  	_ =	shalt  }
0x57: {  	_ =	shalt  }
0x58: {  	_ =	shalt  }
0x59: {  	_ =	shalt  }
0x5a: {  	_ =	shalt  }
0x5b: {  	_ =	shalt  }
0x5c: {  	_ =	shalt  }
0x5d: {  	_ =	shalt  }
0x5e: {  	_ =	shalt  }
0x5f: {  	_ =	shalt  }
0x60: {  	_ =	shalt  }
0x61: {  	_ =	shalt  }
0x62: {  	_ =	shalt  }
0x63: {  	_ =	shalt  }
0x64: {  	_ =	shalt  }
0x65: {  	_ =	shalt  }
0x66: {  	_ =	shalt  }
0x67: {  	_ =	shalt  }
0x68: {  	_ =	shalt  }
0x69: {  	_ =	shalt  }
0x6a: {  	_ =	shalt  }
0x6b: {  	_ =	shalt  }
0x6c: {  	_ =	shalt  }
0x6d: {  	_ =	shalt  }
0x6e: {  	_ =	shalt  }
0x6f: {  	_ =	shalt  }
0x70: {  	_ =	shalt  }
0x71: {  	_ =	shalt  }
0x72: {  	_ =	shalt  }
0x73: {  	_ =	shalt  }
0x74: {  	_ =	shalt  }
0x75: {  	_ =	shalt  }
0x76: {  	_ =	shalt  }
0x77: {  	_ =	shalt  }
0x78: {  	_ =	shalt  }
0x79: {  	_ =	shalt  }
0x7a: {  	_ =	shalt  }
0x7b: {  	_ =	shalt  }
0x7c: {  	_ =	shalt  }
0x7d: {  	_ =	shalt  }
0x7e: {  	_ =	shalt  }
0x7f: {  	_ =	shalt  }
0x80: {  	_ =	shalt  }
0x81: {  	_ =	shalt  }
0x82: {  	_ =	shalt  }
0x83: {  	_ =	shalt  }
0x84: {  	_ =	shalt  }
0x85: {  	_ =	shalt  }
0x86: {  	_ =	shalt  }
0x87: {  	_ =	shalt  }
.Lfunc_end0:
.L_simem_size_0:
called_computation_lowered:
.L_overlay_start_0:
0x88: {  	s2 =	sld [smem:$0x3FD9]  }
0x89: {  	s3 =	sld [smem:$0x3FFE];
	_ =	sdelay $0x1  }
0x8a: {  	s1 =	srdreg.scid  }
0x8b: {  	s0 =	sand.u32 $0x1, s1  }
0x8c: {  	s17 =	sshll.u32 s0, $0xA;
	s2 =	sadd.s32 s3, s2  }
0x8d: {  	s2 =	sadd.s32 s2, s17  }
0x8e: {  	[smem:$0x3FBB] =	sst s2  }
0x8f: {  	_ = 	snop  }
0x90: {  	s2 =	sld [smem:$0x3FD0];
	(tm) =	ssettm $0x1  }
0x91: {  	s18 =	sld [smem:$0x3FFB];
	_ =	sdelay $0x3  }
0x92: {  	_ =	strace s18  }
0x93: {  	s3 =	sld [smem:$0x3FFC];
	_ =	sdelay $0x3  }
0x94: {  	_ =	strace s3  }
0x95: {  	s3 =	sld [smem:$0x3FFD];
	_ =	sdelay $0x3  }
0x96: {  	_ =	strace s3  }
0x97: {  	_ =	strace $0x8FFFFFFF  }
0x98: {  	s19 =	sld [smem:$0x3FDB];
	_ =	sdelay $0x1  }
0x99: {  	s4 =	simm.s32 $_scs_section_size  }
0x9a: {  	s5 =	simm.s32 $_size__tile_overlayer_lowered;
	s6 =	simm.s32 $_tile_overlayer_lowered  }
0x9b: {  	s22 =	simm.s32 $0x1BFF;
	s21 =	sshll.u32 s6, $0x1;
	s3 =	sadd.s32 s4, s19  }
0x9c: {  	s7 =	simm.s32 $0x0;
	s20 =	sshll.u32 s5, $0x1;
	s5 =	sadd.s32 s21, s3  }
0x9d: {  	[timem:s7], [sflag:s22] =	dma.local [hbm:s5], s20  }
0x9e: {  	_ =	swait.ge [sflag:s22], s20  }
0x9f: {  	s4 =	ssub.s32 $0x0, s20;
	[sflag:s22] =	ssyncset.done $0x0  }
0xa0: {  	[sflag:s22] =	ssyncadd.s32 s4;
	_ =	sdelay $0x1  }
0xa1: {  	s23 =	simm.s32 $0x1B8B  }
0xa2: {  	_ =	swait.ge [sflag:s23], $0x1  }
0xa3: {  	[sflag:s23] =	ssyncset.done $0x0  }
0xa4: {  	s25 =	simm.s32 $0x1B8E;
	s24 =	sld [smem:$0x3FFE];
	[sflag:s23] =	ssyncadd.s32 $0xFFFFFFFF  }
0xa5: {  	s26 =	simm.s32 $execute0_lowered;
	[smem:$0x3FD2] =	sst s25  }
0xa6: {  	s5 =	sshll.u32 s26, $0x1;
	_ =	strace $0x80000046;
	[dreg:$0x1] =	wrdreg $0xFFFFFFFF  }
0xa7: {  	s28 =	simm.s32 $_size_execute0_lowered;
	s3 =	sadd.s32 s3, s5;
	[dreg:$0x0] =	wrdreg $0x0  }
0xa8: {  	s5 =	sshll.u32 s28, $0x1;
	[dreg:$0x2] =	wrdreg s3  }
0xa9: {  	[dreg:$0x3] =	wrdreg s5  }
0xaa: {  	[dreg:$0x4] =	wrdreg $0xC0  }
0xab: {  	_ =	task [dreg:s7], $0x5FFFF  }
0xac: {  	[dreg:$0x1] =	wrdreg $0xFFFFFFFF  }
0xad: {  	[dreg:$0x0] =	wrdreg $0x60  }
0xae: {  	[dreg:$0x2] =	wrdreg s2  }
0xaf: {  	[dreg:$0x3] =	wrdreg s24  }
0xb0: {  	[dreg:$0x4] =	wrdreg $0x9  }
0xb1: {  	_ =	task.clear_ibuf [dreg:s7], $0x5FFFF;
	_ =	strace $0x90000046  }
0xb2: {  	s29 =	simm.s32 $0x9;
	_ =	strace $0x80000048  }
0xb3: {  	_ =	swait.ge [sflag:s29], $0x1  }
0xb4: {  	[sflag:s29] =	ssyncadd.s32 $0xFFFFFFFF  }
0xb5: {  	_ =	strace $0x90000048  }
0xb6: {  	_ =	sfence  }
0xb7: {  	s30 =	sld [smem:$0x0];
	_ =	sdelay $0x2  }
0xb8: {  	s31 =	sshll.u32 s1, $0xD;
	s1 =	sshrl.u32 s1, $0x2  }
0xb9: {  	s3 =	sand.u32 $0x4000, s31;
	s1 =	sadd.s32 s1, s30  }
0xba: {  	s0 =	sor.u32 s3, s0;
	s1 =	sshll.u32 s1, $0x11  }
0xbb: {  	s0 =	sor.u32 s1, s0  }
0xbc: {  	s0 =	sadd.s32 $0x8F2B, s0  }
0xbd: {  	[sflag:s0] =	ssyncadd.remote.s32 $0x1  }
0xbe: {  	_ =	sfence.sel $0xFFFF  }
0xbf: {  	[dreg:$0x0] =	wrdreg $0xFFFFFFFF;
	(pc) =	sbr.abs _section_cstart, $3  }
0xc0: {  	[dreg:$0x1] =	wrdreg $0xFFFFFFFF  }
0xc1: {  	_ =	task.clear_ibuf [dreg:s7], $0x2FFFF;
	_ =	strace $0x9FFFFFFF  }
0xc2: {  	(tm) =	ssettm $0x7FFFFFFF  }
0xc3: {  	_ =	shalt  }
tec
execute0_lowered:
.L_overlay_start_1:
0x0: {  	(tag) =	ssettag $0x1  }
0x1: {  	s1 =	srdreg.scid;
	s0 =	stileid.u32  }
0x2: {  	s12 =	sand.u32 $0x1, s1;
	s28 =	sshll.u32 s0, $0x1  }
0x3: {  	s11 =	sor.u32 s12, s28  }
0x4: {  	s2 =	rddreg [dreg:$0x0];
	s4 =	smul.u32 $0xC8, s11  }
0x5: {  	s10 =	rddreg [dreg:$0x1];
	s3 =	simm.s32 $0x0  }
0x6: {  	s5 =	simm.s32 $0x5;
	[smem:$0x7FF] =	sst s3;
	s4 =	sadd.s32 s4, s10  }
0x7: {  	s1 =	rddreg [dreg:$0x2];
	_ =	strace $0x80000047;
	s4 =	sadd.s32 $0x3200, s4  }
0x8: {  	[tilespmem:s3], [sflag:$0x5] =	stream.linear.gather [hbm4b:s4+s3], $0x640, $0x38;
	[tilespmem:$0xCE40] =	vst v63  }
0x9: {  	_ =	swait.ge [sflag:s5], $0x640  }
0xa: {  	s6 =	simm.s32 $0x320;
	[sflag:s5] =	ssyncset.done $0x0  }
0xb: {  	s7 =	simm.s32 $0x640;
	s8 =	simm.s32 $0x6A40;
	[sflag:s5] =	ssyncadd.s32 $0xFFFFF9C0  }
0xc: {  	[tilespmem:s7], [sflag:$0x1] =	stream.indirect.gather [hbm4b:s2+s6], $0x20, s3, s6, $0xb8;
	[tilespmem:$0xCE40] =	vst v63  }
0xd: {  	s9 =	simm.s32 $0x1;
	s14 =	sadd.s32 $0x4C00, s10;
	s13 =	smul.u32 $0x1900, s11  }
0xe: {  	[tilespmem:s8], [sflag:$0x2] =	stream.indirect.gather [hbm4b:s2+s6], $0x20, s6, s6, $0xb8;
	[tilespmem:$0xCE40] =	vst v63  }
0xf: {  	s15 =	ssub.s32 $0x2, s12;
	s29 =	smul.u32 $0xC800, s11;
	_ =	swait.ge [sflag:s9], $0x6400  }
0x10: {  	s11 =	simm.s32 $0x2;
	s31 =	sshrl.u32 s15, $0x1;
	[sflag:s9] =	ssyncset.done $0x0  }
0x11: {  	s10 =	sadd.s32 s14, s13;
	s13 =	sshrl.u32 s29, $0x3;
	[sflag:s9] =	ssyncadd.s32 $0xFFFF9C00  }
0x12: {  	[hbm4b:s10+s3] =	stream.linear.scatter [tilespmem:s7], [sflag:$0x3], $0x6400, $0x38;
	[tilespmem:$0xCE40] =	vst v63  }
0x13: {  	s30 =	sadd.s32 s14, s13;
	s14 =	ssub.s32 s15, s31;
	_ =	swait.ge [sflag:s11], $0x6400  }
0x14: {  	s13 =	simm.s32 $0x3;
	s15 =	smax.u32 s14, $0x1;
	[sflag:s11] =	ssyncset.done $0x0  }
0x15: {  	s12 =	sadd.s32 $0xC80, s30;
	p0 =	sne.s32 s15, $0x1;
	[sflag:s11] =	ssyncadd.s32 $0xFFFF9C00  }
0x16: {  	[hbm4b:s12+s3] =	stream.linear.scatter [tilespmem:s8], [sflag:$0x4], $0x6400, $0x38;
	[tilespmem:$0xCE40] =	vst v63  }
.Ltmp0:
0x17: {  	_ =	swait.ge [sflag:s13], $0x6400;
	(pc) =	sbr.rel @!p0 .LBB2_2-.Ltmp0, $4  }
0x18: {  	[sflag:s13] =	ssyncset.done $0x0  }
0x19: {  	s14 =	simm.s32 $0x4;
	[sflag:s13] =	ssyncadd.s32 $0xFFFF9C00  }
0x1a: {  	_ =	swait.ge [sflag:s14], $0x6400  }
0x1b: {  	s15 =	sadd.s32 $0xFFFFFFFF, s15;
	[sflag:s14] =	ssyncset.done $0x0  }
.LBB2_1:
0x1c: {  	p0 =	sne.s32 s15, $0x1;
	s15 =	sadd.s32 $0xFFFFFFFF, s15;
	[sflag:s14] =	ssyncadd.s32 $0xFFFF9C00  }
0x1d: {  	[tilespmem:s3], [sflag:$0x5] =	stream.linear.gather [hbm4b:s4+s3], $0x640, $0x38;
	[tilespmem:$0xCE40] =	vst v63  }
0x1e: {  	_ =	swait.ge [sflag:s5], $0x640  }
0x1f: {  	[sflag:s5] =	ssyncset.done $0x0  }
0x20: {  	[sflag:s5] =	ssyncadd.s32 $0xFFFFF9C0  }
0x21: {  	[tilespmem:s7], [sflag:$0x1] =	stream.indirect.gather [hbm4b:s2+s6], $0x20, s3, s6, $0xb8;
	[tilespmem:$0xCE40] =	vst v63  }
0x22: {  	_ = 	snop  }
0x23: {  	[tilespmem:s8], [sflag:$0x2] =	stream.indirect.gather [hbm4b:s2+s6], $0x20, s6, s6, $0xb8;
	[tilespmem:$0xCE40] =	vst v63  }
0x24: {  	_ =	swait.ge [sflag:s9], $0x6400  }
0x25: {  	[sflag:s9] =	ssyncset.done $0x0  }
0x26: {  	[sflag:s9] =	ssyncadd.s32 $0xFFFF9C00  }
0x27: {  	[hbm4b:s10+s3] =	stream.linear.scatter [tilespmem:s7], [sflag:$0x3], $0x6400, $0x38;
	[tilespmem:$0xCE40] =	vst v63  }
0x28: {  	_ =	swait.ge [sflag:s11], $0x6400  }
0x29: {  	[sflag:s11] =	ssyncset.done $0x0  }
0x2a: {  	[sflag:s11] =	ssyncadd.s32 $0xFFFF9C00  }
0x2b: {  	[hbm4b:s12+s3] =	stream.linear.scatter [tilespmem:s8], [sflag:$0x4], $0x6400, $0x38;
	[tilespmem:$0xCE40] =	vst v63  }
.Ltmp1:
0x2c: {  	_ =	swait.ge [sflag:s13], $0x6400;
	(pc) =	sbr.rel @p0 .LBB2_1-.Ltmp1, $4  }
0x2d: {  	[sflag:s13] =	ssyncset.done $0x0  }
0x2e: {  	[sflag:s13] =	ssyncadd.s32 $0xFFFF9C00  }
0x2f: {  	_ =	swait.ge [sflag:s14], $0x6400  }
0x30: {  	[sflag:s14] =	ssyncset.done $0x0  }
.LBB2_2:
0x31: {  	[sflag:s14] =	ssyncadd.s32 $0xFFFF9C00  }
0x32: {  	_ =	sfence.sel $0x180000  }
0x33: {  	[bflag:$0x0] =	sbarrier.arrive $0xFFFF  }
0x34: {  	p0 =	sne.s32 s0, $0x0;
	_ =	strace $0x90000047  }
0x35: {  	s0 =	sadd.s32 @!p0 $0x100000, s1;
	[bflag:$0x2] =	sbarrier.arrive $0xFFFF  }
0x36: {  	[sflag:s0] =	ssyncadd.tile.s32 @!p0 $0x1;
	_ =	shalt  }
.Lfunc_end2:
_tile_overlayer_lowered:
.L_overlay_start_2:
0x37: {  	(tag) =	ssettag $0x2  }
0x38: {  	s0 =	rddreg [dreg:$0x0];
	s2 =	stileid.u32  }
0x39: {  	s1 =	rddreg [dreg:$0x1];
	p0 =	sne.s32 s2, $0x0  }
0x3a: {  	s3 =	rddreg [dreg:$0x2];
	[bflag:$0x3] =	sbarrier.arrive $0xFFFF;
	s2 =	simm.s32 @!p0 $0x1C05  }
0x3b: {  	[timem:s3], [sflag:s2] =	dma.local @!p0 [hbm:s0], s1  }
0x3c: {  	s0 =	simm.s32 @!p0 $0x5  }
0x3d: {  	_ =	swait.ge @!p0 [sflag:s0], s1  }
0x3e: {  	s1 =	ssub.s32 @!p0 $0x0, s1;
	[sflag:s0] =	ssyncset.done @!p0 $0x0  }
0x3f: {  	[sflag:s0] =	ssyncadd.s32 @!p0 s1  }
0x40: {  	[bflag:$0x3] =	sbarrier.arrive $0xFFFF  }
0x41: {  	_ =	shalt  }

</sc_bundles>
